<compile_context>
chip_gen: v7x
topology: tpu7x:2x2x1
jax: 0.10.2.dev20260603
libtpu: 0.0.44.dev20260713+nightly
codegen_flags: <defaults>
</compile_context>

<pallas_src>
import functools

import jax
import jax.numpy as jnp
from jax import lax
from jax.experimental import pallas as pl
from jax.experimental.pallas import tpu as pltpu
from jax.experimental.pallas import tpu_sc as plsc

P = 4096
E = 327680
EROWS = E // 128
PP = P * P


def _tc_elementwise(nlog_ref, un_ref, elog_ref, ue_ref, i_ref, j_ref, t_ref,
                    node_ref, vals_ref, f1_ref, f2_ref):
    is_train = t_ref[0, 0] != 0

    def gumbel_sigmoid(logits, u):
        g = -jnp.log(-jnp.log(u + 1e-10) + 1e-10)
        return jax.nn.sigmoid(logits + g)

    nlog = nlog_ref[...]
    node_soft = gumbel_sigmoid(nlog, un_ref[...])
    node_hard = (jax.nn.sigmoid(nlog) > 0.5).astype(jnp.float32)
    node_ref[...] = jnp.where(is_train, node_soft, node_hard)

    elog = elog_ref[...]
    edge_soft = gumbel_sigmoid(elog, ue_ref[...])
    edge_hard = (jax.nn.sigmoid(elog) > 0.5).astype(jnp.float32)
    vals_ref[...] = jnp.where(is_train, edge_soft, edge_hard)

    i = i_ref[...]
    j = j_ref[...]
    f1_ref[...] = i * P + j
    f2_ref[...] = j * P + i


def _shift1(x, sentinel):
    nr = jnp.concatenate(
        [x[1:, :1], jnp.full((1, 1), sentinel, x.dtype)], axis=0)
    return jnp.concatenate([x[:, 1:], nr], axis=1)


def _tc_winner_select(i1_ref, v1_ref, i2_ref, v2_ref, r1v_ref, r2v_ref):
    def propagate(i_ref, v_ref):
        x = i_ref[...]
        same = x == _shift1(x, -1)
        wv = v_ref[...]
        for _ in range(16):
            wv = jnp.where(same, _shift1(wv, 0.0), wv)
        return wv

    r1v_ref[...] = propagate(i1_ref, v1_ref)
    r2v_ref[...] = propagate(i2_ref, v2_ref)


NW = 32
TW = E // NW


def _sc_pass_body(f_hbm, v_hbm, out_hbm, ibuf, vbuf, sem1):
    wid = lax.axis_index("s") * 2 + lax.axis_index("c")
    ebase = wid * TW
    pltpu.sync_copy(f_hbm.at[pl.ds(ebase, TW)], ibuf)
    pltpu.sync_copy(v_hbm.at[pl.ds(ebase, TW)], vbuf)
    pltpu.async_copy(vbuf, out_hbm.at[ibuf], sem1).wait()


_sc_pass = functools.partial(
    pl.kernel,
    out_type=(),
    mesh=plsc.VectorSubcoreMesh(core_axis_name="c", subcore_axis_name="s",
                                num_cores=2),
    compiler_params=pltpu.CompilerParams(needs_layout_passes=False),
    scratch_types=[
        pltpu.VMEM((TW,), jnp.int32),
        pltpu.VMEM((TW,), jnp.float32),
        pltpu.SemaphoreType.DMA,
    ],
)(_sc_pass_body)


def kernel(node_mask_logits, edge_mask_logits, u_node, u_edge, edge_indices,
           train, return_probs):
    del return_probs
    nlog = node_mask_logits.reshape(P // 128, 128)
    un = u_node.reshape(P // 128, 128)
    elog = edge_mask_logits.reshape(EROWS, 128)
    ue = u_edge.reshape(EROWS, 128)
    ivec = edge_indices[:, 0].reshape(EROWS, 128)
    jvec = edge_indices[:, 1].reshape(EROWS, 128)
    t = jnp.asarray(train, jnp.int32).reshape(1, 1)

    vmem = pl.BlockSpec(memory_space=pltpu.VMEM)
    smem = pl.BlockSpec(memory_space=pltpu.SMEM)

    node2d, vals, f1, f2 = pl.pallas_call(
        _tc_elementwise,
        out_shape=(
            jax.ShapeDtypeStruct((P // 128, 128), jnp.float32),
            jax.ShapeDtypeStruct((EROWS, 128), jnp.float32),
            jax.ShapeDtypeStruct((EROWS, 128), jnp.int32),
            jax.ShapeDtypeStruct((EROWS, 128), jnp.int32),
        ),
        in_specs=[vmem, vmem, vmem, vmem, vmem, vmem, smem],
    )(nlog, un, elog, ue, ivec, jvec, t)

    f1r = f1.reshape(E)
    f2r = f2.reshape(E)
    valsr = vals.reshape(E)
    s1i, s1v = jax.lax.sort((f1r, valsr), dimension=0, num_keys=1,
                            is_stable=False)
    s2i, s2v = jax.lax.sort((f2r, valsr), dimension=0, num_keys=1,
                            is_stable=False)
    r1v, r2v = pl.pallas_call(
        _tc_winner_select,
        out_shape=(
            jax.ShapeDtypeStruct((EROWS, 128), jnp.float32),
            jax.ShapeDtypeStruct((EROWS, 128), jnp.float32),
        ),
        in_specs=[vmem, vmem, vmem, vmem],
    )(s1i.reshape(EROWS, 128), s1v.reshape(EROWS, 128),
      s2i.reshape(EROWS, 128), s2v.reshape(EROWS, 128))

    out_ref = jax.new_ref(jnp.zeros((PP,), jnp.float32))
    _sc_pass(s1i, r1v.reshape(E), out_ref)
    _sc_pass(s2i, r2v.reshape(E), out_ref)
    out_flat = out_ref[...]
    return node2d.reshape(P), out_flat.reshape(P, P)

# --- scband reference (transcript-rebuilt; emitter-appended) ---
"""Pipeline reference for scband-causal-mask-56916906607129 (READ-ONLY COPY).

The authoritative reference and input builder live on the scoring server;
editing this copy changes nothing except your own understanding.
"""

import jax, jax.numpy as jnp
import numpy as np

P = 4096
E = 327680
TAU = 1.0


def _gumbel_sigmoid(logits, u, tau):
    g = -jnp.log(-jnp.log(u + 1e-10) + 1e-10)
    return jax.nn.sigmoid((logits + g) / tau)


def _reconstruct_edge_mask(edge_values, edge_indices):
    i = edge_indices[:, 0]
    j = edge_indices[:, 1]
    m = jnp.zeros((P, P), dtype=jnp.float32)
    m = m.at[i, j].set(edge_values)
    m = m.at[j, i].set(edge_values)
    return m


def setup_inputs(seed: int = 0) -> dict:
    key = jax.random.key(seed)
    k1, k2, k3 = jax.random.split(key, 3)
    # learned parameters (module inits both to ones)
    node_mask_logits = jnp.ones((P,), dtype=jnp.float32)
    edge_mask_logits = jnp.ones((E,), dtype=jnp.float32)
    # (i, j) coordinates of the E nonzero entries of the learnable edge_matrix buffer
    edge_indices = jax.random.randint(k1, (E, 2), 0, P, dtype=jnp.int32)
    # pre-drawn uniforms for the Gumbel noise (torch uses rand_like inside forward)
    u_node = jax.random.uniform(k2, (P,), dtype=jnp.float32)
    u_edge = jax.random.uniform(k3, (E,), dtype=jnp.float32)
    return {
        "node_mask_logits": node_mask_logits,
        "edge_mask_logits": edge_mask_logits,
        "u_node": u_node,
        "u_edge": u_edge,
        "edge_indices": edge_indices,
        "train": 1,
        "return_probs": 0,
    }


def reference(node_mask_logits, edge_mask_logits, u_node, u_edge, edge_indices, train=1, return_probs=0):
    is_train = jnp.asarray(train) != 0
    node_soft = _gumbel_sigmoid(node_mask_logits, u_node, TAU)
    edge_soft = _gumbel_sigmoid(edge_mask_logits, u_edge, TAU)
    node_hard = (jax.nn.sigmoid(node_mask_logits) > 0.5).astype(jnp.float32)
    edge_hard = (jax.nn.sigmoid(edge_mask_logits) > 0.5).astype(jnp.float32)
    node_mask = jnp.where(is_train, node_soft, node_hard)
    edge_values = jnp.where(is_train, edge_soft, edge_hard)
    edge_mask = _reconstruct_edge_mask(edge_values, edge_indices)
    node_mask = node_mask + jnp.asarray(return_probs).astype(jnp.float32) * 0.0
    return (node_mask, edge_mask)

if __name__ == "__main__":
    import jax
    _d = setup_inputs()
    print(jax.jit(kernel)(*tuple(_d.values())))

</pallas_src>

<mosaic_0001>
#map = affine_map<(d0, d1) -> (0)>
module attributes {stable_mosaic.version = 14 : i64} {
  func.func @new_body(%arg0: i32, %arg1: i32, %arg2: memref<327680xi32, #tpu.memory_space<hbm>>, %arg3: memref<327680xf32, #tpu.memory_space<hbm>>, %arg4: memref<16777216xf32, #tpu.memory_space<hbm>>, %arg5: memref<16777216xf32, #tpu.memory_space<hbm>>, %arg6: memref<10240xi32, #tpu.memory_space<vmem>>, %arg7: memref<10240xf32, #tpu.memory_space<vmem>>, %arg8: memref<!tpu.dma_semaphore, #tpu.memory_space<semaphore_mem>>) attributes {dimension_semantics = [#tpu.dimension_semantics<core_parallel>, #tpu.dimension_semantics<subcore_parallel>], iteration_bounds = array<i64: 2, 16>, scalar_prefetch = 0 : i64, scratch_operands = 3 : i64, tpu.core_type = #tpu.core_type<sc_vector_subcore>, window_params = [{transform_indices = #map}, {transform_indices = #map}, {transform_indices = #map}, {transform_indices = #map}]} {
    %mul3A = arith.constant 2 : i32
    %mul3A_0 = arith.muli %arg1, %mul3A : i32
    %add3A = arith.addi %mul3A_0, %arg0 : i32
    %mul3A_1 = arith.constant 10240 : i32
    %mul3A_2 = arith.muli %add3A, %mul3A_1 : i32
    "tpu.region"() ({
      %run_scoped3A = tpu.sem_alloc : memref<!tpu.dma_semaphore, #tpu.memory_space<semaphore_mem>>
      %dma_start3A_5 = tpu.memref_slice %arg2[%mul3A_2] : memref<327680xi32, #tpu.memory_space<hbm>> -> memref<10240xi32, #tpu.memory_space<hbm>>
      %dma_start3A_6 = tpu.memref_slice %arg2[%mul3A_2] : memref<327680xi32, #tpu.memory_space<hbm>> -> memref<10240xi32, #tpu.memory_space<hbm>>
      tpu.enqueue_dma source(%dma_start3A_6 : memref<10240xi32, #tpu.memory_space<hbm>>) target(%arg6 : memref<10240xi32, #tpu.memory_space<vmem>>) target_semaphore(%run_scoped3A : memref<!tpu.dma_semaphore, #tpu.memory_space<semaphore_mem>>)
      %dma_wait3A_7 = tpu.memref_slice %arg2[%mul3A_2] : memref<327680xi32, #tpu.memory_space<hbm>> -> memref<10240xi32, #tpu.memory_space<hbm>>
      %dma_wait3A_8 = tpu.memref_slice %arg2[%mul3A_2] : memref<327680xi32, #tpu.memory_space<hbm>> -> memref<10240xi32, #tpu.memory_space<hbm>>
      tpu.wait_dma2 semaphore(%run_scoped3A : memref<!tpu.dma_semaphore, #tpu.memory_space<semaphore_mem>>) src(%dma_wait3A_8 : memref<10240xi32, #tpu.memory_space<hbm>>) dst(%arg6 : memref<10240xi32, #tpu.memory_space<vmem>>)
      tpu.yield
    }) : () -> ()
    "tpu.region"() ({
      %run_scoped3A = tpu.sem_alloc : memref<!tpu.dma_semaphore, #tpu.memory_space<semaphore_mem>>
      %dma_start3A_5 = tpu.memref_slice %arg3[%mul3A_2] : memref<327680xf32, #tpu.memory_space<hbm>> -> memref<10240xf32, #tpu.memory_space<hbm>>
      %dma_start3A_6 = tpu.memref_slice %arg3[%mul3A_2] : memref<327680xf32, #tpu.memory_space<hbm>> -> memref<10240xf32, #tpu.memory_space<hbm>>
      tpu.enqueue_dma source(%dma_start3A_6 : memref<10240xf32, #tpu.memory_space<hbm>>) target(%arg7 : memref<10240xf32, #tpu.memory_space<vmem>>) target_semaphore(%run_scoped3A : memref<!tpu.dma_semaphore, #tpu.memory_space<semaphore_mem>>)
      %dma_wait3A_7 = tpu.memref_slice %arg3[%mul3A_2] : memref<327680xf32, #tpu.memory_space<hbm>> -> memref<10240xf32, #tpu.memory_space<hbm>>
      %dma_wait3A_8 = tpu.memref_slice %arg3[%mul3A_2] : memref<327680xf32, #tpu.memory_space<hbm>> -> memref<10240xf32, #tpu.memory_space<hbm>>
      tpu.wait_dma2 semaphore(%run_scoped3A : memref<!tpu.dma_semaphore, #tpu.memory_space<semaphore_mem>>) src(%dma_wait3A_8 : memref<10240xf32, #tpu.memory_space<hbm>>) dst(%arg7 : memref<10240xf32, #tpu.memory_space<vmem>>)
      tpu.yield
    }) : () -> ()
    %dma_start3A = arith.constant 0 : i32
    %dma_start3A_3 = tpu.memref_slice %arg4[%dma_start3A] : memref<16777216xf32, #tpu.memory_space<hbm>> -> memref<16777216xf32, #tpu.memory_space<hbm>>
    tpu.enqueue_indirect_dma source(%arg7 : memref<10240xf32, #tpu.memory_space<vmem>>) target(%dma_start3A_3 : memref<16777216xf32, #tpu.memory_space<hbm>>) offsets(%arg6 : memref<10240xi32, #tpu.memory_space<vmem>>) semaphore(%arg8 : memref<!tpu.dma_semaphore, #tpu.memory_space<semaphore_mem>>)
    %dma_wait3A = arith.constant 0 : i32
    %dma_wait3A_4 = tpu.memref_slice %arg4[%dma_wait3A] : memref<16777216xf32, #tpu.memory_space<hbm>> -> memref<16777216xf32, #tpu.memory_space<hbm>>
    tpu.wait_indirect_dma semaphore(%arg8 : memref<!tpu.dma_semaphore, #tpu.memory_space<semaphore_mem>>) src(%arg7 : memref<10240xf32, #tpu.memory_space<vmem>>) dst(%dma_wait3A_4 : memref<16777216xf32, #tpu.memory_space<hbm>>)
    return
  }
}

#map = affine_map<(d0, d1) -> (0)>
module attributes {stable_mosaic.version = 14 : i64} {
  func.func @new_body(%arg0: i32, %arg1: i32, %arg2: memref<327680xi32, #tpu.memory_space<hbm>>, %arg3: memref<327680xf32, #tpu.memory_space<hbm>>, %arg4: memref<16777216xf32, #tpu.memory_space<hbm>>, %arg5: memref<16777216xf32, #tpu.memory_space<hbm>>, %arg6: memref<10240xi32, #tpu.memory_space<vmem>>, %arg7: memref<10240xf32, #tpu.memory_space<vmem>>, %arg8: memref<!tpu.dma_semaphore, #tpu.memory_space<semaphore_mem>>) attributes {dimension_semantics = [#tpu.dimension_semantics<core_parallel>, #tpu.dimension_semantics<subcore_parallel>], iteration_bounds = array<i64: 2, 16>, scalar_prefetch = 0 : i64, scratch_operands = 3 : i64, tpu.core_type = #tpu.core_type<sc_vector_subcore>, window_params = [{transform_indices = #map}, {transform_indices = #map}, {transform_indices = #map}, {transform_indices = #map}]} {
    %mul3A = arith.constant 2 : i32
    %mul3A_0 = arith.muli %arg1, %mul3A : i32
    %add3A = arith.addi %mul3A_0, %arg0 : i32
    %mul3A_1 = arith.constant 10240 : i32
    %mul3A_2 = arith.muli %add3A, %mul3A_1 : i32
    "tpu.region"() ({
      %run_scoped3A = tpu.sem_alloc : memref<!tpu.dma_semaphore, #tpu.memory_space<semaphore_mem>>
      %dma_start3A_5 = tpu.memref_slice %arg2[%mul3A_2] : memref<327680xi32, #tpu.memory_space<hbm>> -> memref<10240xi32, #tpu.memory_space<hbm>>
      %dma_start3A_6 = tpu.memref_slice %arg2[%mul3A_2] : memref<327680xi32, #tpu.memory_space<hbm>> -> memref<10240xi32, #tpu.memory_space<hbm>>
      tpu.enqueue_dma source(%dma_start3A_6 : memref<10240xi32, #tpu.memory_space<hbm>>) target(%arg6 : memref<10240xi32, #tpu.memory_space<vmem>>) target_semaphore(%run_scoped3A : memref<!tpu.dma_semaphore, #tpu.memory_space<semaphore_mem>>)
      %dma_wait3A_7 = tpu.memref_slice %arg2[%mul3A_2] : memref<327680xi32, #tpu.memory_space<hbm>> -> memref<10240xi32, #tpu.memory_space<hbm>>
      %dma_wait3A_8 = tpu.memref_slice %arg2[%mul3A_2] : memref<327680xi32, #tpu.memory_space<hbm>> -> memref<10240xi32, #tpu.memory_space<hbm>>
      tpu.wait_dma2 semaphore(%run_scoped3A : memref<!tpu.dma_semaphore, #tpu.memory_space<semaphore_mem>>) src(%dma_wait3A_8 : memref<10240xi32, #tpu.memory_space<hbm>>) dst(%arg6 : memref<10240xi32, #tpu.memory_space<vmem>>)
      tpu.yield
    }) : () -> ()
    "tpu.region"() ({
      %run_scoped3A = tpu.sem_alloc : memref<!tpu.dma_semaphore, #tpu.memory_space<semaphore_mem>>
      %dma_start3A_5 = tpu.memref_slice %arg3[%mul3A_2] : memref<327680xf32, #tpu.memory_space<hbm>> -> memref<10240xf32, #tpu.memory_space<hbm>>
      %dma_start3A_6 = tpu.memref_slice %arg3[%mul3A_2] : memref<327680xf32, #tpu.memory_space<hbm>> -> memref<10240xf32, #tpu.memory_space<hbm>>
      tpu.enqueue_dma source(%dma_start3A_6 : memref<10240xf32, #tpu.memory_space<hbm>>) target(%arg7 : memref<10240xf32, #tpu.memory_space<vmem>>) target_semaphore(%run_scoped3A : memref<!tpu.dma_semaphore, #tpu.memory_space<semaphore_mem>>)
      %dma_wait3A_7 = tpu.memref_slice %arg3[%mul3A_2] : memref<327680xf32, #tpu.memory_space<hbm>> -> memref<10240xf32, #tpu.memory_space<hbm>>
      %dma_wait3A_8 = tpu.memref_slice %arg3[%mul3A_2] : memref<327680xf32, #tpu.memory_space<hbm>> -> memref<10240xf32, #tpu.memory_space<hbm>>
      tpu.wait_dma2 semaphore(%run_scoped3A : memref<!tpu.dma_semaphore, #tpu.memory_space<semaphore_mem>>) src(%dma_wait3A_8 : memref<10240xf32, #tpu.memory_space<hbm>>) dst(%arg7 : memref<10240xf32, #tpu.memory_space<vmem>>)
      tpu.yield
    }) : () -> ()
    %dma_start3A = arith.constant 0 : i32
    %dma_start3A_3 = tpu.memref_slice %arg4[%dma_start3A] : memref<16777216xf32, #tpu.memory_space<hbm>> -> memref<16777216xf32, #tpu.memory_space<hbm>>
    tpu.enqueue_indirect_dma source(%arg7 : memref<10240xf32, #tpu.memory_space<vmem>>) target(%dma_start3A_3 : memref<16777216xf32, #tpu.memory_space<hbm>>) offsets(%arg6 : memref<10240xi32, #tpu.memory_space<vmem>>) semaphore(%arg8 : memref<!tpu.dma_semaphore, #tpu.memory_space<semaphore_mem>>)
    %dma_wait3A = arith.constant 0 : i32
    %dma_wait3A_4 = tpu.memref_slice %arg4[%dma_wait3A] : memref<16777216xf32, #tpu.memory_space<hbm>> -> memref<16777216xf32, #tpu.memory_space<hbm>>
    tpu.wait_indirect_dma semaphore(%arg8 : memref<!tpu.dma_semaphore, #tpu.memory_space<semaphore_mem>>) src(%arg7 : memref<10240xf32, #tpu.memory_space<vmem>>) dst(%dma_wait3A_4 : memref<16777216xf32, #tpu.memory_space<hbm>>)
    return
  }
}

module attributes {stable_mosaic.version = 14 : i64} {
  func.func @_tc_winner_select(%arg0: memref<2560x128xi32, #tpu.memory_space<vmem>>, %arg1: memref<2560x128xf32, #tpu.memory_space<vmem>>, %arg2: memref<2560x128xi32, #tpu.memory_space<vmem>>, %arg3: memref<2560x128xf32, #tpu.memory_space<vmem>>, %arg4: memref<2560x128xf32, #tpu.memory_space<vmem>>, %arg5: memref<2560x128xf32, #tpu.memory_space<vmem>>) attributes {dimension_semantics = [], scalar_prefetch = 0 : i64, scratch_operands = 0 : i64, tpu.core_type = #tpu.core_type<tc>} {
    %get3A = arith.constant 0 : index
    %get3A_0 = arith.constant 0 : index
    %get3A_1 = vector.load %arg0[%get3A, %get3A_0] : memref<2560x128xi32, #tpu.memory_space<vmem>>, vector<2560x128xi32>
    %slice3A = vector.extract_strided_slice %get3A_1 {offsets = [1, 0], sizes = [2559, 1], strides = [1, 1]} : vector<2560x128xi32> to vector<2559x1xi32>
    %broadcast_in_dim3A = arith.constant -1 : i32
    %broadcast_in_dim3A_2 = vector.broadcast %broadcast_in_dim3A : i32 to vector<1x1xi32>
    %concatenate3A = tpu.concatenate %slice3A, %broadcast_in_dim3A_2 in 0 : vector<2559x1xi32>, vector<1x1xi32> -> vector<2560x1xi32>
    %slice3A_3 = vector.extract_strided_slice %get3A_1 {offsets = [0, 1], sizes = [2560, 127], strides = [1, 1]} : vector<2560x128xi32> to vector<2560x127xi32>
    %concatenate3A_4 = tpu.concatenate %slice3A_3, %concatenate3A in 1 : vector<2560x127xi32>, vector<2560x1xi32> -> vector<2560x128xi32>
    %eq3A = arith.cmpi eq, %get3A_1, %concatenate3A_4 : vector<2560x128xi32>
    %get3A_5 = arith.constant 0 : index
    %get3A_6 = arith.constant 0 : index
    %get3A_7 = vector.load %arg1[%get3A_5, %get3A_6] : memref<2560x128xf32, #tpu.memory_space<vmem>>, vector<2560x128xf32>
    %slice3A_8 = vector.extract_strided_slice %get3A_7 {offsets = [1, 0], sizes = [2559, 1], strides = [1, 1]} : vector<2560x128xf32> to vector<2559x1xf32>
    %broadcast_in_dim3A_9 = arith.constant 0.000000e+00 : f32
    %broadcast_in_dim3A_10 = vector.broadcast %broadcast_in_dim3A_9 : f32 to vector<1x1xf32>
    %concatenate3A_11 = tpu.concatenate %slice3A_8, %broadcast_in_dim3A_10 in 0 : vector<2559x1xf32>, vector<1x1xf32> -> vector<2560x1xf32>
    %slice3A_12 = vector.extract_strided_slice %get3A_7 {offsets = [0, 1], sizes = [2560, 127], strides = [1, 1]} : vector<2560x128xf32> to vector<2560x127xf32>
    %concatenate3A_13 = tpu.concatenate %slice3A_12, %concatenate3A_11 in 1 : vector<2560x127xf32>, vector<2560x1xf32> -> vector<2560x128xf32>
    %select_n3A = arith.select %eq3A, %concatenate3A_13, %get3A_7 : vector<2560x128xi1>, vector<2560x128xf32>
    %slice3A_14 = vector.extract_strided_slice %select_n3A {offsets = [1, 0], sizes = [2559, 1], strides = [1, 1]} : vector<2560x128xf32> to vector<2559x1xf32>
    %broadcast_in_dim3A_15 = arith.constant 0.000000e+00 : f32
    %broadcast_in_dim3A_16 = vector.broadcast %broadcast_in_dim3A_15 : f32 to vector<1x1xf32>
    %concatenate3A_17 = tpu.concatenate %slice3A_14, %broadcast_in_dim3A_16 in 0 : vector<2559x1xf32>, vector<1x1xf32> -> vector<2560x1xf32>
    %slice3A_18 = vector.extract_strided_slice %select_n3A {offsets = [0, 1], sizes = [2560, 127], strides = [1, 1]} : vector<2560x128xf32> to vector<2560x127xf32>
    %concatenate3A_19 = tpu.concatenate %slice3A_18, %concatenate3A_17 in 1 : vector<2560x127xf32>, vector<2560x1xf32> -> vector<2560x128xf32>
    %select_n3A_20 = arith.select %eq3A, %concatenate3A_19, %select_n3A : vector<2560x128xi1>, vector<2560x128xf32>
    %slice3A_21 = vector.extract_strided_slice %select_n3A_20 {offsets = [1, 0], sizes = [2559, 1], strides = [1, 1]} : vector<2560x128xf32> to vector<2559x1xf32>
    %broadcast_in_dim3A_22 = arith.constant 0.000000e+00 : f32
    %broadcast_in_dim3A_23 = vector.broadcast %broadcast_in_dim3A_22 : f32 to vector<1x1xf32>
    %concatenate3A_24 = tpu.concatenate %slice3A_21, %broadcast_in_dim3A_23 in 0 : vector<2559x1xf32>, vector<1x1xf32> -> vector<2560x1xf32>
    %slice3A_25 = vector.extract_strided_slice %select_n3A_20 {offsets = [0, 1], sizes = [2560, 127], strides = [1, 1]} : vector<2560x128xf32> to vector<2560x127xf32>
    %concatenate3A_26 = tpu.concatenate %slice3A_25, %concatenate3A_24 in 1 : vector<2560x127xf32>, vector<2560x1xf32> -> vector<2560x128xf32>
    %select_n3A_27 = arith.select %eq3A, %concatenate3A_26, %select_n3A_20 : vector<2560x128xi1>, vector<2560x128xf32>
    %slice3A_28 = vector.extract_strided_slice %select_n3A_27 {offsets = [1, 0], sizes = [2559, 1], strides = [1, 1]} : vector<2560x128xf32> to vector<2559x1xf32>
    %broadcast_in_dim3A_29 = arith.constant 0.000000e+00 : f32
    %broadcast_in_dim3A_30 = vector.broadcast %broadcast_in_dim3A_29 : f32 to vector<1x1xf32>
    %concatenate3A_31 = tpu.concatenate %slice3A_28, %broadcast_in_dim3A_30 in 0 : vector<2559x1xf32>, vector<1x1xf32> -> vector<2560x1xf32>
    %slice3A_32 = vector.extract_strided_slice %select_n3A_27 {offsets = [0, 1], sizes = [2560, 127], strides = [1, 1]} : vector<2560x128xf32> to vector<2560x127xf32>
    %concatenate3A_33 = tpu.concatenate %slice3A_32, %concatenate3A_31 in 1 : vector<2560x127xf32>, vector<2560x1xf32> -> vector<2560x128xf32>
    %select_n3A_34 = arith.select %eq3A, %concatenate3A_33, %select_n3A_27 : vector<2560x128xi1>, vector<2560x128xf32>
    %slice3A_35 = vector.extract_strided_slice %select_n3A_34 {offsets = [1, 0], sizes = [2559, 1], strides = [1, 1]} : vector<2560x128xf32> to vector<2559x1xf32>
    %broadcast_in_dim3A_36 = arith.constant 0.000000e+00 : f32
    %broadcast_in_dim3A_37 = vector.broadcast %broadcast_in_dim3A_36 : f32 to vector<1x1xf32>
    %concatenate3A_38 = tpu.concatenate %slice3A_35, %broadcast_in_dim3A_37 in 0 : vector<2559x1xf32>, vector<1x1xf32> -> vector<2560x1xf32>
    %slice3A_39 = vector.extract_strided_slice %select_n3A_34 {offsets = [0, 1], sizes = [2560, 127], strides = [1, 1]} : vector<2560x128xf32> to vector<2560x127xf32>
    %concatenate3A_40 = tpu.concatenate %slice3A_39, %concatenate3A_38 in 1 : vector<2560x127xf32>, vector<2560x1xf32> -> vector<2560x128xf32>
    %select_n3A_41 = arith.select %eq3A, %concatenate3A_40, %select_n3A_34 : vector<2560x128xi1>, vector<2560x128xf32>
    %slice3A_42 = vector.extract_strided_slice %select_n3A_41 {offsets = [1, 0], sizes = [2559, 1], strides = [1, 1]} : vector<2560x128xf32> to vector<2559x1xf32>
    %broadcast_in_dim3A_43 = arith.constant 0.000000e+00 : f32
    %broadcast_in_dim3A_44 = vector.broadcast %broadcast_in_dim3A_43 : f32 to vector<1x1xf32>
    %concatenate3A_45 = tpu.concatenate %slice3A_42, %broadcast_in_dim3A_44 in 0 : vector<2559x1xf32>, vector<1x1xf32> -> vector<2560x1xf32>
    %slice3A_46 = vector.extract_strided_slice %select_n3A_41 {offsets = [0, 1], sizes = [2560, 127], strides = [1, 1]} : vector<2560x128xf32> to vector<2560x127xf32>
    %concatenate3A_47 = tpu.concatenate %slice3A_46, %concatenate3A_45 in 1 : vector<2560x127xf32>, vector<2560x1xf32> -> vector<2560x128xf32>
    %select_n3A_48 = arith.select %eq3A, %concatenate3A_47, %select_n3A_41 : vector<2560x128xi1>, vector<2560x128xf32>
    %slice3A_49 = vector.extract_strided_slice %select_n3A_48 {offsets = [1, 0], sizes = [2559, 1], strides = [1, 1]} : vector<2560x128xf32> to vector<2559x1xf32>
    %broadcast_in_dim3A_50 = arith.constant 0.000000e+00 : f32
    %broadcast_in_dim3A_51 = vector.broadcast %broadcast_in_dim3A_50 : f32 to vector<1x1xf32>
    %concatenate3A_52 = tpu.concatenate %slice3A_49, %broadcast_in_dim3A_51 in 0 : vector<2559x1xf32>, vector<1x1xf32> -> vector<2560x1xf32>
    %slice3A_53 = vector.extract_strided_slice %select_n3A_48 {offsets = [0, 1], sizes = [2560, 127], strides = [1, 1]} : vector<2560x128xf32> to vector<2560x127xf32>
    %concatenate3A_54 = tpu.concatenate %slice3A_53, %concatenate3A_52 in 1 : vector<2560x127xf32>, vector<2560x1xf32> -> vector<2560x128xf32>
    %select_n3A_55 = arith.select %eq3A, %concatenate3A_54, %select_n3A_48 : vector<2560x128xi1>, vector<2560x128xf32>
    %slice3A_56 = vector.extract_strided_slice %select_n3A_55 {offsets = [1, 0], sizes = [2559, 1], strides = [1, 1]} : vector<2560x128xf32> to vector<2559x1xf32>
    %broadcast_in_dim3A_57 = arith.constant 0.000000e+00 : f32
    %broadcast_in_dim3A_58 = vector.broadcast %broadcast_in_dim3A_57 : f32 to vector<1x1xf32>
    %concatenate3A_59 = tpu.concatenate %slice3A_56, %broadcast_in_dim3A_58 in 0 : vector<2559x1xf32>, vector<1x1xf32> -> vector<2560x1xf32>
    %slice3A_60 = vector.extract_strided_slice %select_n3A_55 {offsets = [0, 1], sizes = [2560, 127], strides = [1, 1]} : vector<2560x128xf32> to vector<2560x127xf32>
    %concatenate3A_61 = tpu.concatenate %slice3A_60, %concatenate3A_59 in 1 : vector<2560x127xf32>, vector<2560x1xf32> -> vector<2560x128xf32>
    %select_n3A_62 = arith.select %eq3A, %concatenate3A_61, %select_n3A_55 : vector<2560x128xi1>, vector<2560x128xf32>
    %slice3A_63 = vector.extract_strided_slice %select_n3A_62 {offsets = [1, 0], sizes = [2559, 1], strides = [1, 1]} : vector<2560x128xf32> to vector<2559x1xf32>
    %broadcast_in_dim3A_64 = arith.constant 0.000000e+00 : f32
    %broadcast_in_dim3A_65 = vector.broadcast %broadcast_in_dim3A_64 : f32 to vector<1x1xf32>
    %concatenate3A_66 = tpu.concatenate %slice3A_63, %broadcast_in_dim3A_65 in 0 : vector<2559x1xf32>, vector<1x1xf32> -> vector<2560x1xf32>
    %slice3A_67 = vector.extract_strided_slice %select_n3A_62 {offsets = [0, 1], sizes = [2560, 127], strides = [1, 1]} : vector<2560x128xf32> to vector<2560x127xf32>
    %concatenate3A_68 = tpu.concatenate %slice3A_67, %concatenate3A_66 in 1 : vector<2560x127xf32>, vector<2560x1xf32> -> vector<2560x128xf32>
    %select_n3A_69 = arith.select %eq3A, %concatenate3A_68, %select_n3A_62 : vector<2560x128xi1>, vector<2560x128xf32>
    %slice3A_70 = vector.extract_strided_slice %select_n3A_69 {offsets = [1, 0], sizes = [2559, 1], strides = [1, 1]} : vector<2560x128xf32> to vector<2559x1xf32>
    %broadcast_in_dim3A_71 = arith.constant 0.000000e+00 : f32
    %broadcast_in_dim3A_72 = vector.broadcast %broadcast_in_dim3A_71 : f32 to vector<1x1xf32>
    %concatenate3A_73 = tpu.concatenate %slice3A_70, %broadcast_in_dim3A_72 in 0 : vector<2559x1xf32>, vector<1x1xf32> -> vector<2560x1xf32>
    %slice3A_74 = vector.extract_strided_slice %select_n3A_69 {offsets = [0, 1], sizes = [2560, 127], strides = [1, 1]} : vector<2560x128xf32> to vector<2560x127xf32>
    %concatenate3A_75 = tpu.concatenate %slice3A_74, %concatenate3A_73 in 1 : vector<2560x127xf32>, vector<2560x1xf32> -> vector<2560x128xf32>
    %select_n3A_76 = arith.select %eq3A, %concatenate3A_75, %select_n3A_69 : vector<2560x128xi1>, vector<2560x128xf32>
    %slice3A_77 = vector.extract_strided_slice %select_n3A_76 {offsets = [1, 0], sizes = [2559, 1], strides = [1, 1]} : vector<2560x128xf32> to vector<2559x1xf32>
    %broadcast_in_dim3A_78 = arith.constant 0.000000e+00 : f32
    %broadcast_in_dim3A_79 = vector.broadcast %broadcast_in_dim3A_78 : f32 to vector<1x1xf32>
    %concatenate3A_80 = tpu.concatenate %slice3A_77, %broadcast_in_dim3A_79 in 0 : vector<2559x1xf32>, vector<1x1xf32> -> vector<2560x1xf32>
    %slice3A_81 = vector.extract_strided_slice %select_n3A_76 {offsets = [0, 1], sizes = [2560, 127], strides = [1, 1]} : vector<2560x128xf32> to vector<2560x127xf32>
    %concatenate3A_82 = tpu.concatenate %slice3A_81, %concatenate3A_80 in 1 : vector<2560x127xf32>, vector<2560x1xf32> -> vector<2560x128xf32>
    %select_n3A_83 = arith.select %eq3A, %concatenate3A_82, %select_n3A_76 : vector<2560x128xi1>, vector<2560x128xf32>
    %slice3A_84 = vector.extract_strided_slice %select_n3A_83 {offsets = [1, 0], sizes = [2559, 1], strides = [1, 1]} : vector<2560x128xf32> to vector<2559x1xf32>
    %broadcast_in_dim3A_85 = arith.constant 0.000000e+00 : f32
    %broadcast_in_dim3A_86 = vector.broadcast %broadcast_in_dim3A_85 : f32 to vector<1x1xf32>
    %concatenate3A_87 = tpu.concatenate %slice3A_84, %broadcast_in_dim3A_86 in 0 : vector<2559x1xf32>, vector<1x1xf32> -> vector<2560x1xf32>
    %slice3A_88 = vector.extract_strided_slice %select_n3A_83 {offsets = [0, 1], sizes = [2560, 127], strides = [1, 1]} : vector<2560x128xf32> to vector<2560x127xf32>
    %concatenate3A_89 = tpu.concatenate %slice3A_88, %concatenate3A_87 in 1 : vector<2560x127xf32>, vector<2560x1xf32> -> vector<2560x128xf32>
    %select_n3A_90 = arith.select %eq3A, %concatenate3A_89, %select_n3A_83 : vector<2560x128xi1>, vector<2560x128xf32>
    %slice3A_91 = vector.extract_strided_slice %select_n3A_90 {offsets = [1, 0], sizes = [2559, 1], strides = [1, 1]} : vector<2560x128xf32> to vector<2559x1xf32>
    %broadcast_in_dim3A_92 = arith.constant 0.000000e+00 : f32
    %broadcast_in_dim3A_93 = vector.broadcast %broadcast_in_dim3A_92 : f32 to vector<1x1xf32>
    %concatenate3A_94 = tpu.concatenate %slice3A_91, %broadcast_in_dim3A_93 in 0 : vector<2559x1xf32>, vector<1x1xf32> -> vector<2560x1xf32>
    %slice3A_95 = vector.extract_strided_slice %select_n3A_90 {offsets = [0, 1], sizes = [2560, 127], strides = [1, 1]} : vector<2560x128xf32> to vector<2560x127xf32>
    %concatenate3A_96 = tpu.concatenate %slice3A_95, %concatenate3A_94 in 1 : vector<2560x127xf32>, vector<2560x1xf32> -> vector<2560x128xf32>
    %select_n3A_97 = arith.select %eq3A, %concatenate3A_96, %select_n3A_90 : vector<2560x128xi1>, vector<2560x128xf32>
    %slice3A_98 = vector.extract_strided_slice %select_n3A_97 {offsets = [1, 0], sizes = [2559, 1], strides = [1, 1]} : vector<2560x128xf32> to vector<2559x1xf32>
    %broadcast_in_dim3A_99 = arith.constant 0.000000e+00 : f32
    %broadcast_in_dim3A_100 = vector.broadcast %broadcast_in_dim3A_99 : f32 to vector<1x1xf32>
    %concatenate3A_101 = tpu.concatenate %slice3A_98, %broadcast_in_dim3A_100 in 0 : vector<2559x1xf32>, vector<1x1xf32> -> vector<2560x1xf32>
    %slice3A_102 = vector.extract_strided_slice %select_n3A_97 {offsets = [0, 1], sizes = [2560, 127], strides = [1, 1]} : vector<2560x128xf32> to vector<2560x127xf32>
    %concatenate3A_103 = tpu.concatenate %slice3A_102, %concatenate3A_101 in 1 : vector<2560x127xf32>, vector<2560x1xf32> -> vector<2560x128xf32>
    %select_n3A_104 = arith.select %eq3A, %concatenate3A_103, %select_n3A_97 : vector<2560x128xi1>, vector<2560x128xf32>
    %slice3A_105 = vector.extract_strided_slice %select_n3A_104 {offsets = [1, 0], sizes = [2559, 1], strides = [1, 1]} : vector<2560x128xf32> to vector<2559x1xf32>
    %broadcast_in_dim3A_106 = arith.constant 0.000000e+00 : f32
    %broadcast_in_dim3A_107 = vector.broadcast %broadcast_in_dim3A_106 : f32 to vector<1x1xf32>
    %concatenate3A_108 = tpu.concatenate %slice3A_105, %broadcast_in_dim3A_107 in 0 : vector<2559x1xf32>, vector<1x1xf32> -> vector<2560x1xf32>
    %slice3A_109 = vector.extract_strided_slice %select_n3A_104 {offsets = [0, 1], sizes = [2560, 127], strides = [1, 1]} : vector<2560x128xf32> to vector<2560x127xf32>
    %concatenate3A_110 = tpu.concatenate %slice3A_109, %concatenate3A_108 in 1 : vector<2560x127xf32>, vector<2560x1xf32> -> vector<2560x128xf32>
    %select_n3A_111 = arith.select %eq3A, %concatenate3A_110, %select_n3A_104 : vector<2560x128xi1>, vector<2560x128xf32>
    %slice3A_112 = vector.extract_strided_slice %select_n3A_111 {offsets = [1, 0], sizes = [2559, 1], strides = [1, 1]} : vector<2560x128xf32> to vector<2559x1xf32>
    %broadcast_in_dim3A_113 = arith.constant 0.000000e+00 : f32
    %broadcast_in_dim3A_114 = vector.broadcast %broadcast_in_dim3A_113 : f32 to vector<1x1xf32>
    %concatenate3A_115 = tpu.concatenate %slice3A_112, %broadcast_in_dim3A_114 in 0 : vector<2559x1xf32>, vector<1x1xf32> -> vector<2560x1xf32>
    %slice3A_116 = vector.extract_strided_slice %select_n3A_111 {offsets = [0, 1], sizes = [2560, 127], strides = [1, 1]} : vector<2560x128xf32> to vector<2560x127xf32>
    %concatenate3A_117 = tpu.concatenate %slice3A_116, %concatenate3A_115 in 1 : vector<2560x127xf32>, vector<2560x1xf32> -> vector<2560x128xf32>
    %select_n3A_118 = arith.select %eq3A, %concatenate3A_117, %select_n3A_111 : vector<2560x128xi1>, vector<2560x128xf32>
    %swap3A = arith.constant 0 : index
    %swap3A_119 = arith.constant 0 : index
    %swap3A_120 = vector.load %arg4[%swap3A, %swap3A_119] : memref<2560x128xf32, #tpu.memory_space<vmem>>, vector<2560x128xf32>
    tpu.vector_store %arg4[%swap3A, %swap3A_119], %select_n3A_118 {strides = array<i32>} : memref<2560x128xf32, #tpu.memory_space<vmem>>, vector<2560x128xf32>,
    %get3A_121 = arith.constant 0 : index
    %get3A_122 = arith.constant 0 : index
    %get3A_123 = vector.load %arg2[%get3A_121, %get3A_122] : memref<2560x128xi32, #tpu.memory_space<vmem>>, vector<2560x128xi32>
    %slice3A_124 = vector.extract_strided_slice %get3A_123 {offsets = [1, 0], sizes = [2559, 1], strides = [1, 1]} : vector<2560x128xi32> to vector<2559x1xi32>
    %broadcast_in_dim3A_125 = arith.constant -1 : i32
    %broadcast_in_dim3A_126 = vector.broadcast %broadcast_in_dim3A_125 : i32 to vector<1x1xi32>
    %concatenate3A_127 = tpu.concatenate %slice3A_124, %broadcast_in_dim3A_126 in 0 : vector<2559x1xi32>, vector<1x1xi32> -> vector<2560x1xi32>
    %slice3A_128 = vector.extract_strided_slice %get3A_123 {offsets = [0, 1], sizes = [2560, 127], strides = [1, 1]} : vector<2560x128xi32> to vector<2560x127xi32>
    %concatenate3A_129 = tpu.concatenate %slice3A_128, %concatenate3A_127 in 1 : vector<2560x127xi32>, vector<2560x1xi32> -> vector<2560x128xi32>
    %eq3A_130 = arith.cmpi eq, %get3A_123, %concatenate3A_129 : vector<2560x128xi32>
    %get3A_131 = arith.constant 0 : index
    %get3A_132 = arith.constant 0 : index
    %get3A_133 = vector.load %arg3[%get3A_131, %get3A_132] : memref<2560x128xf32, #tpu.memory_space<vmem>>, vector<2560x128xf32>
    %slice3A_134 = vector.extract_strided_slice %get3A_133 {offsets = [1, 0], sizes = [2559, 1], strides = [1, 1]} : vector<2560x128xf32> to vector<2559x1xf32>
    %broadcast_in_dim3A_135 = arith.constant 0.000000e+00 : f32
    %broadcast_in_dim3A_136 = vector.broadcast %broadcast_in_dim3A_135 : f32 to vector<1x1xf32>
    %concatenate3A_137 = tpu.concatenate %slice3A_134, %broadcast_in_dim3A_136 in 0 : vector<2559x1xf32>, vector<1x1xf32> -> vector<2560x1xf32>
    %slice3A_138 = vector.extract_strided_slice %get3A_133 {offsets = [0, 1], sizes = [2560, 127], strides = [1, 1]} : vector<2560x128xf32> to vector<2560x127xf32>
    %concatenate3A_139 = tpu.concatenate %slice3A_138, %concatenate3A_137 in 1 : vector<2560x127xf32>, vector<2560x1xf32> -> vector<2560x128xf32>
    %select_n3A_140 = arith.select %eq3A_130, %concatenate3A_139, %get3A_133 : vector<2560x128xi1>, vector<2560x128xf32>
    %slice3A_141 = vector.extract_strided_slice %select_n3A_140 {offsets = [1, 0], sizes = [2559, 1], strides = [1, 1]} : vector<2560x128xf32> to vector<2559x1xf32>
    %broadcast_in_dim3A_142 = arith.constant 0.000000e+00 : f32
    %broadcast_in_dim3A_143 = vector.broadcast %broadcast_in_dim3A_142 : f32 to vector<1x1xf32>
    %concatenate3A_144 = tpu.concatenate %slice3A_141, %broadcast_in_dim3A_143 in 0 : vector<2559x1xf32>, vector<1x1xf32> -> vector<2560x1xf32>
    %slice3A_145 = vector.extract_strided_slice %select_n3A_140 {offsets = [0, 1], sizes = [2560, 127], strides = [1, 1]} : vector<2560x128xf32> to vector<2560x127xf32>
    %concatenate3A_146 = tpu.concatenate %slice3A_145, %concatenate3A_144 in 1 : vector<2560x127xf32>, vector<2560x1xf32> -> vector<2560x128xf32>
    %select_n3A_147 = arith.select %eq3A_130, %concatenate3A_146, %select_n3A_140 : vector<2560x128xi1>, vector<2560x128xf32>
    %slice3A_148 = vector.extract_strided_slice %select_n3A_147 {offsets = [1, 0], sizes = [2559, 1], strides = [1, 1]} : vector<2560x128xf32> to vector<2559x1xf32>
    %broadcast_in_dim3A_149 = arith.constant 0.000000e+00 : f32
    %broadcast_in_dim3A_150 = vector.broadcast %broadcast_in_dim3A_149 : f32 to vector<1x1xf32>
    %concatenate3A_151 = tpu.concatenate %slice3A_148, %broadcast_in_dim3A_150 in 0 : vector<2559x1xf32>, vector<1x1xf32> -> vector<2560x1xf32>
    %slice3A_152 = vector.extract_strided_slice %select_n3A_147 {offsets = [0, 1], sizes = [2560, 127], strides = [1, 1]} : vector<2560x128xf32> to vector<2560x127xf32>
    %concatenate3A_153 = tpu.concatenate %slice3A_152, %concatenate3A_151 in 1 : vector<2560x127xf32>, vector<2560x1xf32> -> vector<2560x128xf32>
    %select_n3A_154 = arith.select %eq3A_130, %concatenate3A_153, %select_n3A_147 : vector<2560x128xi1>, vector<2560x128xf32>
    %slice3A_155 = vector.extract_strided_slice %select_n3A_154 {offsets = [1, 0], sizes = [2559, 1], strides = [1, 1]} : vector<2560x128xf32> to vector<2559x1xf32>
    %broadcast_in_dim3A_156 = arith.constant 0.000000e+00 : f32
    %broadcast_in_dim3A_157 = vector.broadcast %broadcast_in_dim3A_156 : f32 to vector<1x1xf32>
    %concatenate3A_158 = tpu.concatenate %slice3A_155, %broadcast_in_dim3A_157 in 0 : vector<2559x1xf32>, vector<1x1xf32> -> vector<2560x1xf32>
    %slice3A_159 = vector.extract_strided_slice %select_n3A_154 {offsets = [0, 1], sizes = [2560, 127], strides = [1, 1]} : vector<2560x128xf32> to vector<2560x127xf32>
    %concatenate3A_160 = tpu.concatenate %slice3A_159, %concatenate3A_158 in 1 : vector<2560x127xf32>, vector<2560x1xf32> -> vector<2560x128xf32>
    %select_n3A_161 = arith.select %eq3A_130, %concatenate3A_160, %select_n3A_154 : vector<2560x128xi1>, vector<2560x128xf32>
    %slice3A_162 = vector.extract_strided_slice %select_n3A_161 {offsets = [1, 0], sizes = [2559, 1], strides = [1, 1]} : vector<2560x128xf32> to vector<2559x1xf32>
    %broadcast_in_dim3A_163 = arith.constant 0.000000e+00 : f32
    %broadcast_in_dim3A_164 = vector.broadcast %broadcast_in_dim3A_163 : f32 to vector<1x1xf32>
    %concatenate3A_165 = tpu.concatenate %slice3A_162, %broadcast_in_dim3A_164 in 0 : vector<2559x1xf32>, vector<1x1xf32> -> vector<2560x1xf32>
    %slice3A_166 = vector.extract_strided_slice %select_n3A_161 {offsets = [0, 1], sizes = [2560, 127], strides = [1, 1]} : vector<2560x128xf32> to vector<2560x127xf32>
    %concatenate3A_167 = tpu.concatenate %slice3A_166, %concatenate3A_165 in 1 : vector<2560x127xf32>, vector<2560x1xf32> -> vector<2560x128xf32>
    %select_n3A_168 = arith.select %eq3A_130, %concatenate3A_167, %select_n3A_161 : vector<2560x128xi1>, vector<2560x128xf32>
    %slice3A_169 = vector.extract_strided_slice %select_n3A_168 {offsets = [1, 0], sizes = [2559, 1], strides = [1, 1]} : vector<2560x128xf32> to vector<2559x1xf32>
    %broadcast_in_dim3A_170 = arith.constant 0.000000e+00 : f32
    %broadcast_in_dim3A_171 = vector.broadcast %broadcast_in_dim3A_170 : f32 to vector<1x1xf32>
    %concatenate3A_172 = tpu.concatenate %slice3A_169, %broadcast_in_dim3A_171 in 0 : vector<2559x1xf32>, vector<1x1xf32> -> vector<2560x1xf32>
    %slice3A_173 = vector.extract_strided_slice %select_n3A_168 {offsets = [0, 1], sizes = [2560, 127], strides = [1, 1]} : vector<2560x128xf32> to vector<2560x127xf32>
    %concatenate3A_174 = tpu.concatenate %slice3A_173, %concatenate3A_172 in 1 : vector<2560x127xf32>, vector<2560x1xf32> -> vector<2560x128xf32>
    %select_n3A_175 = arith.select %eq3A_130, %concatenate3A_174, %select_n3A_168 : vector<2560x128xi1>, vector<2560x128xf32>
    %slice3A_176 = vector.extract_strided_slice %select_n3A_175 {offsets = [1, 0], sizes = [2559, 1], strides = [1, 1]} : vector<2560x128xf32> to vector<2559x1xf32>
    %broadcast_in_dim3A_177 = arith.constant 0.000000e+00 : f32
    %broadcast_in_dim3A_178 = vector.broadcast %broadcast_in_dim3A_177 : f32 to vector<1x1xf32>
    %concatenate3A_179 = tpu.concatenate %slice3A_176, %broadcast_in_dim3A_178 in 0 : vector<2559x1xf32>, vector<1x1xf32> -> vector<2560x1xf32>
    %slice3A_180 = vector.extract_strided_slice %select_n3A_175 {offsets = [0, 1], sizes = [2560, 127], strides = [1, 1]} : vector<2560x128xf32> to vector<2560x127xf32>
    %concatenate3A_181 = tpu.concatenate %slice3A_180, %concatenate3A_179 in 1 : vector<2560x127xf32>, vector<2560x1xf32> -> vector<2560x128xf32>
    %select_n3A_182 = arith.select %eq3A_130, %concatenate3A_181, %select_n3A_175 : vector<2560x128xi1>, vector<2560x128xf32>
    %slice3A_183 = vector.extract_strided_slice %select_n3A_182 {offsets = [1, 0], sizes = [2559, 1], strides = [1, 1]} : vector<2560x128xf32> to vector<2559x1xf32>
    %broadcast_in_dim3A_184 = arith.constant 0.000000e+00 : f32
    %broadcast_in_dim3A_185 = vector.broadcast %broadcast_in_dim3A_184 : f32 to vector<1x1xf32>
    %concatenate3A_186 = tpu.concatenate %slice3A_183, %broadcast_in_dim3A_185 in 0 : vector<2559x1xf32>, vector<1x1xf32> -> vector<2560x1xf32>
    %slice3A_187 = vector.extract_strided_slice %select_n3A_182 {offsets = [0, 1], sizes = [2560, 127], strides = [1, 1]} : vector<2560x128xf32> to vector<2560x127xf32>
    %concatenate3A_188 = tpu.concatenate %slice3A_187, %concatenate3A_186 in 1 : vector<2560x127xf32>, vector<2560x1xf32> -> vector<2560x128xf32>
    %select_n3A_189 = arith.select %eq3A_130, %concatenate3A_188, %select_n3A_182 : vector<2560x128xi1>, vector<2560x128xf32>
    %slice3A_190 = vector.extract_strided_slice %select_n3A_189 {offsets = [1, 0], sizes = [2559, 1], strides = [1, 1]} : vector<2560x128xf32> to vector<2559x1xf32>
    %broadcast_in_dim3A_191 = arith.constant 0.000000e+00 : f32
    %broadcast_in_dim3A_192 = vector.broadcast %broadcast_in_dim3A_191 : f32 to vector<1x1xf32>
    %concatenate3A_193 = tpu.concatenate %slice3A_190, %broadcast_in_dim3A_192 in 0 : vector<2559x1xf32>, vector<1x1xf32> -> vector<2560x1xf32>
    %slice3A_194 = vector.extract_strided_slice %select_n3A_189 {offsets = [0, 1], sizes = [2560, 127], strides = [1, 1]} : vector<2560x128xf32> to vector<2560x127xf32>
    %concatenate3A_195 = tpu.concatenate %slice3A_194, %concatenate3A_193 in 1 : vector<2560x127xf32>, vector<2560x1xf32> -> vector<2560x128xf32>
    %select_n3A_196 = arith.select %eq3A_130, %concatenate3A_195, %select_n3A_189 : vector<2560x128xi1>, vector<2560x128xf32>
    %slice3A_197 = vector.extract_strided_slice %select_n3A_196 {offsets = [1, 0], sizes = [2559, 1], strides = [1, 1]} : vector<2560x128xf32> to vector<2559x1xf32>
    %broadcast_in_dim3A_198 = arith.constant 0.000000e+00 : f32
    %broadcast_in_dim3A_199 = vector.broadcast %broadcast_in_dim3A_198 : f32 to vector<1x1xf32>
    %concatenate3A_200 = tpu.concatenate %slice3A_197, %broadcast_in_dim3A_199 in 0 : vector<2559x1xf32>, vector<1x1xf32> -> vector<2560x1xf32>
    %slice3A_201 = vector.extract_strided_slice %select_n3A_196 {offsets = [0, 1], sizes = [2560, 127], strides = [1, 1]} : vector<2560x128xf32> to vector<2560x127xf32>
    %concatenate3A_202 = tpu.concatenate %slice3A_201, %concatenate3A_200 in 1 : vector<2560x127xf32>, vector<2560x1xf32> -> vector<2560x128xf32>
    %select_n3A_203 = arith.select %eq3A_130, %concatenate3A_202, %select_n3A_196 : vector<2560x128xi1>, vector<2560x128xf32>
    %slice3A_204 = vector.extract_strided_slice %select_n3A_203 {offsets = [1, 0], sizes = [2559, 1], strides = [1, 1]} : vector<2560x128xf32> to vector<2559x1xf32>
    %broadcast_in_dim3A_205 = arith.constant 0.000000e+00 : f32
    %broadcast_in_dim3A_206 = vector.broadcast %broadcast_in_dim3A_205 : f32 to vector<1x1xf32>
    %concatenate3A_207 = tpu.concatenate %slice3A_204, %broadcast_in_dim3A_206 in 0 : vector<2559x1xf32>, vector<1x1xf32> -> vector<2560x1xf32>
    %slice3A_208 = vector.extract_strided_slice %select_n3A_203 {offsets = [0, 1], sizes = [2560, 127], strides = [1, 1]} : vector<2560x128xf32> to vector<2560x127xf32>
    %concatenate3A_209 = tpu.concatenate %slice3A_208, %concatenate3A_207 in 1 : vector<2560x127xf32>, vector<2560x1xf32> -> vector<2560x128xf32>
    %select_n3A_210 = arith.select %eq3A_130, %concatenate3A_209, %select_n3A_203 : vector<2560x128xi1>, vector<2560x128xf32>
    %slice3A_211 = vector.extract_strided_slice %select_n3A_210 {offsets = [1, 0], sizes = [2559, 1], strides = [1, 1]} : vector<2560x128xf32> to vector<2559x1xf32>
    %broadcast_in_dim3A_212 = arith.constant 0.000000e+00 : f32
    %broadcast_in_dim3A_213 = vector.broadcast %broadcast_in_dim3A_212 : f32 to vector<1x1xf32>
    %concatenate3A_214 = tpu.concatenate %slice3A_211, %broadcast_in_dim3A_213 in 0 : vector<2559x1xf32>, vector<1x1xf32> -> vector<2560x1xf32>
    %slice3A_215 = vector.extract_strided_slice %select_n3A_210 {offsets = [0, 1], sizes = [2560, 127], strides = [1, 1]} : vector<2560x128xf32> to vector<2560x127xf32>
    %concatenate3A_216 = tpu.concatenate %slice3A_215, %concatenate3A_214 in 1 : vector<2560x127xf32>, vector<2560x1xf32> -> vector<2560x128xf32>
    %select_n3A_217 = arith.select %eq3A_130, %concatenate3A_216, %select_n3A_210 : vector<2560x128xi1>, vector<2560x128xf32>
    %slice3A_218 = vector.extract_strided_slice %select_n3A_217 {offsets = [1, 0], sizes = [2559, 1], strides = [1, 1]} : vector<2560x128xf32> to vector<2559x1xf32>
    %broadcast_in_dim3A_219 = arith.constant 0.000000e+00 : f32
    %broadcast_in_dim3A_220 = vector.broadcast %broadcast_in_dim3A_219 : f32 to vector<1x1xf32>
    %concatenate3A_221 = tpu.concatenate %slice3A_218, %broadcast_in_dim3A_220 in 0 : vector<2559x1xf32>, vector<1x1xf32> -> vector<2560x1xf32>
    %slice3A_222 = vector.extract_strided_slice %select_n3A_217 {offsets = [0, 1], sizes = [2560, 127], strides = [1, 1]} : vector<2560x128xf32> to vector<2560x127xf32>
    %concatenate3A_223 = tpu.concatenate %slice3A_222, %concatenate3A_221 in 1 : vector<2560x127xf32>, vector<2560x1xf32> -> vector<2560x128xf32>
    %select_n3A_224 = arith.select %eq3A_130, %concatenate3A_223, %select_n3A_217 : vector<2560x128xi1>, vector<2560x128xf32>
    %slice3A_225 = vector.extract_strided_slice %select_n3A_224 {offsets = [1, 0], sizes = [2559, 1], strides = [1, 1]} : vector<2560x128xf32> to vector<2559x1xf32>
    %broadcast_in_dim3A_226 = arith.constant 0.000000e+00 : f32
    %broadcast_in_dim3A_227 = vector.broadcast %broadcast_in_dim3A_226 : f32 to vector<1x1xf32>
    %concatenate3A_228 = tpu.concatenate %slice3A_225, %broadcast_in_dim3A_227 in 0 : vector<2559x1xf32>, vector<1x1xf32> -> vector<2560x1xf32>
    %slice3A_229 = vector.extract_strided_slice %select_n3A_224 {offsets = [0, 1], sizes = [2560, 127], strides = [1, 1]} : vector<2560x128xf32> to vector<2560x127xf32>
    %concatenate3A_230 = tpu.concatenate %slice3A_229, %concatenate3A_228 in 1 : vector<2560x127xf32>, vector<2560x1xf32> -> vector<2560x128xf32>
    %select_n3A_231 = arith.select %eq3A_130, %concatenate3A_230, %select_n3A_224 : vector<2560x128xi1>, vector<2560x128xf32>
    %slice3A_232 = vector.extract_strided_slice %select_n3A_231 {offsets = [1, 0], sizes = [2559, 1], strides = [1, 1]} : vector<2560x128xf32> to vector<2559x1xf32>
    %broadcast_in_dim3A_233 = arith.constant 0.000000e+00 : f32
    %broadcast_in_dim3A_234 = vector.broadcast %broadcast_in_dim3A_233 : f32 to vector<1x1xf32>
    %concatenate3A_235 = tpu.concatenate %slice3A_232, %broadcast_in_dim3A_234 in 0 : vector<2559x1xf32>, vector<1x1xf32> -> vector<2560x1xf32>
    %slice3A_236 = vector.extract_strided_slice %select_n3A_231 {offsets = [0, 1], sizes = [2560, 127], strides = [1, 1]} : vector<2560x128xf32> to vector<2560x127xf32>
    %concatenate3A_237 = tpu.concatenate %slice3A_236, %concatenate3A_235 in 1 : vector<2560x127xf32>, vector<2560x1xf32> -> vector<2560x128xf32>
    %select_n3A_238 = arith.select %eq3A_130, %concatenate3A_237, %select_n3A_231 : vector<2560x128xi1>, vector<2560x128xf32>
    %slice3A_239 = vector.extract_strided_slice %select_n3A_238 {offsets = [1, 0], sizes = [2559, 1], strides = [1, 1]} : vector<2560x128xf32> to vector<2559x1xf32>
    %broadcast_in_dim3A_240 = arith.constant 0.000000e+00 : f32
    %broadcast_in_dim3A_241 = vector.broadcast %broadcast_in_dim3A_240 : f32 to vector<1x1xf32>
    %concatenate3A_242 = tpu.concatenate %slice3A_239, %broadcast_in_dim3A_241 in 0 : vector<2559x1xf32>, vector<1x1xf32> -> vector<2560x1xf32>
    %slice3A_243 = vector.extract_strided_slice %select_n3A_238 {offsets = [0, 1], sizes = [2560, 127], strides = [1, 1]} : vector<2560x128xf32> to vector<2560x127xf32>
    %concatenate3A_244 = tpu.concatenate %slice3A_243, %concatenate3A_242 in 1 : vector<2560x127xf32>, vector<2560x1xf32> -> vector<2560x128xf32>
    %select_n3A_245 = arith.select %eq3A_130, %concatenate3A_244, %select_n3A_238 : vector<2560x128xi1>, vector<2560x128xf32>
    %swap3A_246 = arith.constant 0 : index
    %swap3A_247 = arith.constant 0 : index
    %swap3A_248 = vector.load %arg5[%swap3A_246, %swap3A_247] : memref<2560x128xf32, #tpu.memory_space<vmem>>, vector<2560x128xf32>
    tpu.vector_store %arg5[%swap3A_246, %swap3A_247], %select_n3A_245 {strides = array<i32>} : memref<2560x128xf32, #tpu.memory_space<vmem>>, vector<2560x128xf32>,
    return
  }
}

module attributes {stable_mosaic.version = 14 : i64} {
  func.func @_tc_elementwise(%arg0: memref<32x128xf32, #tpu.memory_space<vmem>>, %arg1: memref<32x128xf32, #tpu.memory_space<vmem>>, %arg2: memref<2560x128xf32, #tpu.memory_space<vmem>>, %arg3: memref<2560x128xf32, #tpu.memory_space<vmem>>, %arg4: memref<2560x128xi32, #tpu.memory_space<vmem>>, %arg5: memref<2560x128xi32, #tpu.memory_space<vmem>>, %arg6: memref<1x1xi32, #tpu.memory_space<smem>>, %arg7: memref<32x128xf32, #tpu.memory_space<vmem>>, %arg8: memref<2560x128xf32, #tpu.memory_space<vmem>>, %arg9: memref<2560x128xi32, #tpu.memory_space<vmem>>, %arg10: memref<2560x128xi32, #tpu.memory_space<vmem>>) attributes {dimension_semantics = [], scalar_prefetch = 0 : i64, scratch_operands = 0 : i64, tpu.core_type = #tpu.core_type<tc>} {
    %get3A = arith.constant 0 : index
    %get3A_0 = arith.constant 0 : index
    %get3A_1 = memref.load %arg6[%get3A, %get3A_0] : memref<1x1xi32, #tpu.memory_space<smem>>
    %ne3A = arith.constant 0 : i32
    %ne3A_2 = arith.cmpi ne, %get3A_1, %ne3A : i32
    %get3A_3 = arith.constant 0 : index
    %get3A_4 = arith.constant 0 : index
    %get3A_5 = vector.load %arg0[%get3A_3, %get3A_4] : memref<32x128xf32, #tpu.memory_space<vmem>>, vector<32x128xf32>
    %get3A_6 = arith.constant 0 : index
    %get3A_7 = arith.constant 0 : index
    %get3A_8 = vector.load %arg1[%get3A_6, %get3A_7] : memref<32x128xf32, #tpu.memory_space<vmem>>, vector<32x128xf32>
    %add3A = arith.constant 1.000000e-10 : f32
    %add3A_9 = vector.broadcast %add3A : f32 to vector<32x128xf32>
    %add3A_10 = arith.addf %get3A_8, %add3A_9 : vector<32x128xf32>
    %log3A = math.log %add3A_10 : vector<32x128xf32>
    %neg3A = arith.constant 0.000000e+00 : f32
    %neg3A_11 = vector.broadcast %neg3A : f32 to vector<32x128xf32>
    %neg3A_12 = arith.subf %neg3A_11, %log3A : vector<32x128xf32>
    %add3A_13 = arith.constant 1.000000e-10 : f32
    %add3A_14 = vector.broadcast %add3A_13 : f32 to vector<32x128xf32>
    %add3A_15 = arith.addf %neg3A_12, %add3A_14 : vector<32x128xf32>
    %log3A_16 = math.log %add3A_15 : vector<32x128xf32>
    %neg3A_17 = arith.constant 0.000000e+00 : f32
    %neg3A_18 = vector.broadcast %neg3A_17 : f32 to vector<32x128xf32>
    %neg3A_19 = arith.subf %neg3A_18, %log3A_16 : vector<32x128xf32>
    %add3A_20 = arith.addf %get3A_5, %neg3A_19 : vector<32x128xf32>
    %logistic3A = arith.negf %add3A_20 : vector<32x128xf32>
    %logistic3A_21 = math.exp %logistic3A : vector<32x128xf32>
    %logistic3A_22 = arith.constant 1.000000e+00 : f32
    %logistic3A_23 = vector.broadcast %logistic3A_22 : f32 to vector<32x128xf32>
    %logistic3A_24 = arith.addf %logistic3A_23, %logistic3A_21 : vector<32x128xf32>
    %logistic3A_25 = arith.divf %logistic3A_23, %logistic3A_24 : vector<32x128xf32>
    %logistic3A_26 = arith.negf %get3A_5 : vector<32x128xf32>
    %logistic3A_27 = math.exp %logistic3A_26 : vector<32x128xf32>
    %logistic3A_28 = arith.constant 1.000000e+00 : f32
    %logistic3A_29 = vector.broadcast %logistic3A_28 : f32 to vector<32x128xf32>
    %logistic3A_30 = arith.addf %logistic3A_29, %logistic3A_27 : vector<32x128xf32>
    %logistic3A_31 = arith.divf %logistic3A_29, %logistic3A_30 : vector<32x128xf32>
    %gt3A = arith.constant 5.000000e-01 : f32
    %gt3A_32 = vector.broadcast %gt3A : f32 to vector<32x128xf32>
    %gt3A_33 = arith.cmpf ogt, %logistic3A_31, %gt3A_32 : vector<32x128xf32>
    %convert_element_type3A = arith.extui %gt3A_33 : vector<32x128xi1> to vector<32x128xi32>
    %convert_element_type3A_34 = arith.sitofp %convert_element_type3A : vector<32x128xi32> to vector<32x128xf32>
    %select_n3A = arith.select %ne3A_2, %logistic3A_25, %convert_element_type3A_34 : vector<32x128xf32>
    %swap3A = arith.constant 0 : index
    %swap3A_35 = arith.constant 0 : index
    %swap3A_36 = vector.load %arg7[%swap3A, %swap3A_35] : memref<32x128xf32, #tpu.memory_space<vmem>>, vector<32x128xf32>
    tpu.vector_store %arg7[%swap3A, %swap3A_35], %select_n3A {strides = array<i32>} : memref<32x128xf32, #tpu.memory_space<vmem>>, vector<32x128xf32>,
    %get3A_37 = arith.constant 0 : index
    %get3A_38 = arith.constant 0 : index
    %get3A_39 = vector.load %arg2[%get3A_37, %get3A_38] : memref<2560x128xf32, #tpu.memory_space<vmem>>, vector<2560x128xf32>
    %get3A_40 = arith.constant 0 : index
    %get3A_41 = arith.constant 0 : index
    %get3A_42 = vector.load %arg3[%get3A_40, %get3A_41] : memref<2560x128xf32, #tpu.memory_space<vmem>>, vector<2560x128xf32>
    %add3A_43 = arith.constant 1.000000e-10 : f32
    %add3A_44 = vector.broadcast %add3A_43 : f32 to vector<2560x128xf32>
    %add3A_45 = arith.addf %get3A_42, %add3A_44 : vector<2560x128xf32>
    %log3A_46 = math.log %add3A_45 : vector<2560x128xf32>
    %neg3A_47 = arith.constant 0.000000e+00 : f32
    %neg3A_48 = vector.broadcast %neg3A_47 : f32 to vector<2560x128xf32>
    %neg3A_49 = arith.subf %neg3A_48, %log3A_46 : vector<2560x128xf32>
    %add3A_50 = arith.constant 1.000000e-10 : f32
    %add3A_51 = vector.broadcast %add3A_50 : f32 to vector<2560x128xf32>
    %add3A_52 = arith.addf %neg3A_49, %add3A_51 : vector<2560x128xf32>
    %log3A_53 = math.log %add3A_52 : vector<2560x128xf32>
    %neg3A_54 = arith.constant 0.000000e+00 : f32
    %neg3A_55 = vector.broadcast %neg3A_54 : f32 to vector<2560x128xf32>
    %neg3A_56 = arith.subf %neg3A_55, %log3A_53 : vector<2560x128xf32>
    %add3A_57 = arith.addf %get3A_39, %neg3A_56 : vector<2560x128xf32>
    %logistic3A_58 = arith.negf %add3A_57 : vector<2560x128xf32>
    %logistic3A_59 = math.exp %logistic3A_58 : vector<2560x128xf32>
    %logistic3A_60 = arith.constant 1.000000e+00 : f32
    %logistic3A_61 = vector.broadcast %logistic3A_60 : f32 to vector<2560x128xf32>
    %logistic3A_62 = arith.addf %logistic3A_61, %logistic3A_59 : vector<2560x128xf32>
    %logistic3A_63 = arith.divf %logistic3A_61, %logistic3A_62 : vector<2560x128xf32>
    %logistic3A_64 = arith.negf %get3A_39 : vector<2560x128xf32>
    %logistic3A_65 = math.exp %logistic3A_64 : vector<2560x128xf32>
    %logistic3A_66 = arith.constant 1.000000e+00 : f32
    %logistic3A_67 = vector.broadcast %logistic3A_66 : f32 to vector<2560x128xf32>
    %logistic3A_68 = arith.addf %logistic3A_67, %logistic3A_65 : vector<2560x128xf32>
    %logistic3A_69 = arith.divf %logistic3A_67, %logistic3A_68 : vector<2560x128xf32>
    %gt3A_70 = arith.constant 5.000000e-01 : f32
    %gt3A_71 = vector.broadcast %gt3A_70 : f32 to vector<2560x128xf32>
    %gt3A_72 = arith.cmpf ogt, %logistic3A_69, %gt3A_71 : vector<2560x128xf32>
    %convert_element_type3A_73 = arith.extui %gt3A_72 : vector<2560x128xi1> to vector<2560x128xi32>
    %convert_element_type3A_74 = arith.sitofp %convert_element_type3A_73 : vector<2560x128xi32> to vector<2560x128xf32>
    %select_n3A_75 = arith.select %ne3A_2, %logistic3A_63, %convert_element_type3A_74 : vector<2560x128xf32>
    %swap3A_76 = arith.constant 0 : index
    %swap3A_77 = arith.constant 0 : index
    %swap3A_78 = vector.load %arg8[%swap3A_76, %swap3A_77] : memref<2560x128xf32, #tpu.memory_space<vmem>>, vector<2560x128xf32>
    tpu.vector_store %arg8[%swap3A_76, %swap3A_77], %select_n3A_75 {strides = array<i32>} : memref<2560x128xf32, #tpu.memory_space<vmem>>, vector<2560x128xf32>,
    %get3A_79 = arith.constant 0 : index
    %get3A_80 = arith.constant 0 : index
    %get3A_81 = vector.load %arg4[%get3A_79, %get3A_80] : memref<2560x128xi32, #tpu.memory_space<vmem>>, vector<2560x128xi32>
    %get3A_82 = arith.constant 0 : index
    %get3A_83 = arith.constant 0 : index
    %get3A_84 = vector.load %arg5[%get3A_82, %get3A_83] : memref<2560x128xi32, #tpu.memory_space<vmem>>, vector<2560x128xi32>
    %mul3A = arith.constant 4096 : i32
    %mul3A_85 = vector.broadcast %mul3A : i32 to vector<2560x128xi32>
    %mul3A_86 = arith.muli %get3A_81, %mul3A_85 : vector<2560x128xi32>
    %add3A_87 = arith.addi %mul3A_86, %get3A_84 : vector<2560x128xi32>
    %swap3A_88 = arith.constant 0 : index
    %swap3A_89 = arith.constant 0 : index
    %swap3A_90 = vector.load %arg9[%swap3A_88, %swap3A_89] : memref<2560x128xi32, #tpu.memory_space<vmem>>, vector<2560x128xi32>
    tpu.vector_store %arg9[%swap3A_88, %swap3A_89], %add3A_87 {strides = array<i32>} : memref<2560x128xi32, #tpu.memory_space<vmem>>, vector<2560x128xi32>,
    %mul3A_91 = arith.constant 4096 : i32
    %mul3A_92 = vector.broadcast %mul3A_91 : i32 to vector<2560x128xi32>
    %mul3A_93 = arith.muli %get3A_84, %mul3A_92 : vector<2560x128xi32>
    %add3A_94 = arith.addi %mul3A_93, %get3A_81 : vector<2560x128xi32>
    %swap3A_95 = arith.constant 0 : index
    %swap3A_96 = arith.constant 0 : index
    %swap3A_97 = vector.load %arg10[%swap3A_95, %swap3A_96] : memref<2560x128xi32, #tpu.memory_space<vmem>>, vector<2560x128xi32>
    tpu.vector_store %arg10[%swap3A_95, %swap3A_96], %add3A_94 {strides = array<i32>} : memref<2560x128xi32, #tpu.memory_space<vmem>>, vector<2560x128xi32>,
    return
  }
}

</mosaic_0001>

<sc_bundles>
// kernel: kernel.6.cloned.1.call-start
scs
__scs_entry_jumppad:
0x0: {  	(pc) =	sbr.rel $0x88, $3  }
0x1: {  	(tag) =	ssettag $0x0;
	lr =	simm.s32 $0x1  }
0x2: {  	[smem:$0x3F9B] =	sst lr;
	_ =	strace $0xD0000000  }
0x3: {  	_ = 	snop  }
0x4: {  	_ = 	snop  }
0x5: {  	_ = 	snop  }
0x6: {  	_ = 	snop  }
0x7: {  	_ = 	snop  }
__scs_overlays_trampoline_lowered:
0x8: {  	[smem:$0x3FAA] =	sst s0  }
0x9: {  	[smem:$0x3FAB] =	sst s1  }
0xa: {  	[smem:$0x3FAC] =	sst s2  }
0xb: {  	[smem:$0x3FAD] =	sst s3  }
0xc: {  	[smem:$0x3FAE] =	sst s4  }
0xd: {  	[smem:$0x3FAF] =	sst s5  }
0xe: {  	[smem:$0x3FB0] =	sst s6  }
0xf: {  	[smem:$0x3FB1] =	sst s7  }
0x10: {  	[smem:$0x3FB2] =	sst s8  }
0x11: {  	[smem:$0x3FB3] =	sst s9;
	s0 =	simm.s32 @!p0 $0x0  }
0x12: {  	s1 =	sld [smem:$0x3F99];
	s0 =	simm.s32 @p0 $0x1  }
0x13: {  	[smem:$0x3FB4] =	sst s0;
	s0 =	simm.s32 @!p1 $0x0  }
0x14: {  	s2 =	sld [smem:$0x3F98];
	s0 =	simm.s32 @p1 $0x1  }
0x15: {  	[smem:$0x3FB5] =	sst s0;
	s0 =	simm.s32 @!p2 $0x0  }
0x16: {  	s3 =	sld [smem:$0x3FDB];
	s0 =	simm.s32 @p2 $0x1  }
0x17: {  	s4 =	simm.s32 $0x1BF5;
	[smem:$0x3FB7] =	sst s0  }
0x18: {  	s0 =	sld [smem:$0x3F9A];
	_ =	swait.ge [sflag:s4], $0x0  }
0x19: {  	s7 =	sld [smem:$0x3F9B]  }
0x1a: {  	s8 =	sadd.s32 $0xFFFFE003, lr  }
0x1b: {  	s9 =	sadd.s32 $0xFFFFFEF7, lr;
	s5 =	simm.s32 $0xFFFFFFFF;
	p2 =	slt.u32 s8, $0xFFFFF086  }
0x1c: {  	p1 =	slt.u32 s9, $0xF7A;
	s5 =	simm.s32 @!p2 $0x0  }
0x1d: {  	s5 =	simm.s32 @p1 $0x1;
	p0 =	seq.s32 s7, s2  }
0x1e: {  	s7 =	smul.u32 @!p0 $0xF7A, s2;
	p2 =	seq.s32 @!p0 s5, $0x0  }
0x1f: {  	s9 =	smul.u32 $0xF7A, s1;
	s8 =	simm.s32 @!p0 $0x1BF5;
	p2 =	por !p2, p0  }
0x20: {  	[sflag:s8] =	ssyncset.s32 @!p0 $0xFFFFF086;
	s6 =	sadd.s32 @!p0 s3, s7;
	s7 =	simm.s32 @!p0 $0x108  }
0x21: {  	s3 =	sadd.s32 s3, s9;
	s6 =	sadd.s32 @!p0 $0x88, s6;
	s7 =	simm.s32 @p2 $0x1082  }
0x22: {  	[simem:s7], [sflag:s8] =	dma.local @!p0 [hbm:s6], $0xF7A  }
0x23: {  	s9 =	sor.u32 $0xD0000000, s2;
	s6 =	simm.s32 $0x108;
	_ =	swait.ge @!p0 [sflag:s8], $0x0  }
0x24: {  	s3 =	sadd.s32 $0x88, s3;
	s6 =	simm.s32 @!p1 $0x1082;
	[sflag:s4] =	ssyncset.s32 $0xFFFFF086  }
0x25: {  	[simem:s6], [sflag:s4] =	dma.local [hbm:s3], $0xF7A  }
0x26: {  	[smem:$0x3F9B] =	sst s1;
	(tag) =	ssettag s2;
	_ =	strace s9  }
0x27: {  	s1 =	sld [smem:$0x3FAB]  }
0x28: {  	s2 =	sld [smem:$0x3FAC]  }
0x29: {  	s4 =	sld [smem:$0x3FAE]  }
0x2a: {  	p0 =	seq.s32 s5, $0x0;
	s5 =	sld [smem:$0x3FAF]  }
0x2b: {  	s6 =	sld [smem:$0x3FB0]  }
0x2c: {  	s7 =	sld [smem:$0x3FB1]  }
0x2d: {  	s3 =	simm.s32 $0x108;
	s8 =	sld [smem:$0x3FB2]  }
0x2e: {  	s3 =	simm.s32 @!p0 $0x1082;
	s9 =	sld [smem:$0x3FB3]  }
0x2f: {  	lr =	sadd.s32 s0, s3;
	s0 =	sld [smem:$0x3FAA]  }
0x30: {  	s3 =	sld [smem:$0x3FAD]  }
0x31: {  	[smem:$0x3FB6] =	sst s10  }
0x32: {  	s10 =	sld [smem:$0x3FB4];
	_ =	sdelay $0x3  }
0x33: {  	p0 =	seq.s32 s10, $0x1;
	s10 =	sld [smem:$0x3FB6];
	_ =	sdelay $0x3  }
0x34: {  	[smem:$0x3FB6] =	sst s10  }
0x35: {  	s10 =	sld [smem:$0x3FB5];
	_ =	sdelay $0x3  }
0x36: {  	p1 =	seq.s32 s10, $0x1;
	s10 =	sld [smem:$0x3FB6];
	_ =	sdelay $0x3  }
0x37: {  	[smem:$0x3FB6] =	sst s10  }
0x38: {  	s10 =	sld [smem:$0x3FB7]  }
0x39: {  	_ = 	snop;
	(pc) =	sbr.ind lr, $3  }
0x3a: {  	_ = 	snop  }
0x3b: {  	_ = 	snop  }
0x3c: {  	p2 =	seq.s32 s10, $0x1;
	s10 =	sld [smem:$0x3FB6]  }
0x3d: {  	_ =	shalt  }
0x3e: {  	_ =	shalt  }
0x3f: {  	_ =	shalt  }
0x40: {  	_ =	shalt  }
0x41: {  	_ =	shalt  }
0x42: {  	_ =	shalt  }
0x43: {  	_ =	shalt  }
0x44: {  	_ =	shalt  }
0x45: {  	_ =	shalt  }
0x46: {  	_ =	shalt  }
0x47: {  	_ =	shalt  }
0x48: {  	_ =	shalt  }
0x49: {  	_ =	shalt  }
0x4a: {  	_ =	shalt  }
0x4b: {  	_ =	shalt  }
0x4c: {  	_ =	shalt  }
0x4d: {  	_ =	shalt  }
0x4e: {  	_ =	shalt  }
0x4f: {  	_ =	shalt  }
0x50: {  	_ =	shalt  }
0x51: {  	_ =	shalt  }
0x52: {  	_ =	shalt  }
0x53: {  	_ =	shalt  }
0x54: {  	_ =	shalt  }
0x55: {  	_ =	shalt  }
0x56: {  	_ =	shalt  }
0x57: {  	_ =	shalt  }
0x58: {  	_ =	shalt  }
0x59: {  	_ =	shalt  }
0x5a: {  	_ =	shalt  }
0x5b: {  	_ =	shalt  }
0x5c: {  	_ =	shalt  }
0x5d: {  	_ =	shalt  }
0x5e: {  	_ =	shalt  }
0x5f: {  	_ =	shalt  }
0x60: {  	_ =	shalt  }
0x61: {  	_ =	shalt  }
0x62: {  	_ =	shalt  }
0x63: {  	_ =	shalt  }
0x64: {  	_ =	shalt  }
0x65: {  	_ =	shalt  }
0x66: {  	_ =	shalt  }
0x67: {  	_ =	shalt  }
0x68: {  	_ =	shalt  }
0x69: {  	_ =	shalt  }
0x6a: {  	_ =	shalt  }
0x6b: {  	_ =	shalt  }
0x6c: {  	_ =	shalt  }
0x6d: {  	_ =	shalt  }
0x6e: {  	_ =	shalt  }
0x6f: {  	_ =	shalt  }
0x70: {  	_ =	shalt  }
0x71: {  	_ =	shalt  }
0x72: {  	_ =	shalt  }
0x73: {  	_ =	shalt  }
0x74: {  	_ =	shalt  }
0x75: {  	_ =	shalt  }
0x76: {  	_ =	shalt  }
0x77: {  	_ =	shalt  }
0x78: {  	_ =	shalt  }
0x79: {  	_ =	shalt  }
0x7a: {  	_ =	shalt  }
0x7b: {  	_ =	shalt  }
0x7c: {  	_ =	shalt  }
0x7d: {  	_ =	shalt  }
0x7e: {  	_ =	shalt  }
0x7f: {  	_ =	shalt  }
0x80: {  	_ =	shalt  }
0x81: {  	_ =	shalt  }
0x82: {  	_ =	shalt  }
0x83: {  	_ =	shalt  }
0x84: {  	_ =	shalt  }
0x85: {  	_ =	shalt  }
0x86: {  	_ =	shalt  }
0x87: {  	_ =	shalt  }
.Lfunc_end0:
.L_simem_size_0:
called_computation_lowered:
.L_overlay_start_0:
0x88: {  	s2 =	sld [smem:$0x3FD9]  }
0x89: {  	s3 =	sld [smem:$0x3FFE];
	_ =	sdelay $0x1  }
0x8a: {  	s1 =	srdreg.scid  }
0x8b: {  	s0 =	sand.u32 $0x1, s1  }
0x8c: {  	s16 =	sshll.u32 s0, $0xA;
	s2 =	sadd.s32 s3, s2  }
0x8d: {  	s2 =	sadd.s32 s2, s16  }
0x8e: {  	[smem:$0x3FC2] =	sst s2  }
0x8f: {  	_ = 	snop  }
0x90: {  	(tm) =	ssettm $0x1  }
0x91: {  	s17 =	sld [smem:$0x3FFB];
	_ =	sdelay $0x3  }
0x92: {  	_ =	strace s17  }
0x93: {  	s2 =	sld [smem:$0x3FFC];
	_ =	sdelay $0x3  }
0x94: {  	_ =	strace s2  }
0x95: {  	s2 =	sld [smem:$0x3FFD];
	_ =	sdelay $0x3  }
0x96: {  	_ =	strace s2  }
0x97: {  	_ =	strace $0x8FFFFFFF  }
0x98: {  	s18 =	sld [smem:$0x3FDB];
	_ =	sdelay $0x1  }
0x99: {  	s19 =	simm.s32 $_scs_section_size  }
0x9a: {  	s4 =	simm.s32 $_size__tile_overlayer_lowered;
	s5 =	simm.s32 $_tile_overlayer_lowered  }
0x9b: {  	s22 =	simm.s32 $0x1BFF;
	s21 =	sshll.u32 s5, $0x1;
	s2 =	sadd.s32 s19, s18  }
0x9c: {  	s6 =	simm.s32 $0x0;
	s20 =	sshll.u32 s4, $0x1;
	s4 =	sadd.s32 s21, s2  }
0x9d: {  	[timem:s6], [sflag:s22] =	dma.local [hbm:s4], s20  }
0x9e: {  	_ =	swait.ge [sflag:s22], s20  }
0x9f: {  	s3 =	ssub.s32 $0x0, s20;
	[sflag:s22] =	ssyncset.done $0x0  }
0xa0: {  	[sflag:s22] =	ssyncadd.s32 s3;
	_ =	sdelay $0x1  }
0xa1: {  	s23 =	simm.s32 $0x1B8B  }
0xa2: {  	_ =	swait.ge [sflag:s23], $0x1  }
0xa3: {  	[sflag:s23] =	ssyncset.done $0x0  }
0xa4: {  	s25 =	simm.s32 $0x1B8E;
	s24 =	sld [smem:$0x3FFE];
	[sflag:s23] =	ssyncadd.s32 $0xFFFFFFFF  }
0xa5: {  	s26 =	simm.s32 $execute0_lowered;
	[smem:$0x3FD2] =	sst s25  }
0xa6: {  	s4 =	sshll.u32 s26, $0x1;
	_ =	strace $0x80000046;
	[dreg:$0x1] =	wrdreg $0xFFFFFFFF  }
0xa7: {  	s28 =	simm.s32 $_size_execute0_lowered;
	s2 =	sadd.s32 s2, s4;
	[dreg:$0x0] =	wrdreg $0x0  }
0xa8: {  	s4 =	sshll.u32 s28, $0x1;
	[dreg:$0x2] =	wrdreg s2  }
0xa9: {  	[dreg:$0x3] =	wrdreg s4  }
0xaa: {  	[dreg:$0x4] =	wrdreg $0xC0  }
0xab: {  	_ =	task [dreg:s6], $0x5FFFF  }
0xac: {  	[dreg:$0x1] =	wrdreg $0xFFFFFFFF  }
0xad: {  	[dreg:$0x0] =	wrdreg $0x60  }
0xae: {  	[dreg:$0x2] =	wrdreg s24  }
0xaf: {  	[dreg:$0x3] =	wrdreg $0x9  }
0xb0: {  	_ =	task.clear_ibuf [dreg:s6], $0x4FFFF;
	_ =	strace $0x90000046  }
0xb1: {  	s29 =	simm.s32 $0x9;
	_ =	strace $0x80000048  }
0xb2: {  	_ =	swait.ge [sflag:s29], $0x1  }
0xb3: {  	[sflag:s29] =	ssyncadd.s32 $0xFFFFFFFF  }
0xb4: {  	_ =	strace $0x90000048  }
0xb5: {  	_ =	sfence  }
0xb6: {  	s30 =	sld [smem:$0x0];
	_ =	sdelay $0x2  }
0xb7: {  	s31 =	sshll.u32 s1, $0xD;
	s1 =	sshrl.u32 s1, $0x2  }
0xb8: {  	s3 =	sand.u32 $0x4000, s31;
	s1 =	sadd.s32 s1, s30  }
0xb9: {  	s0 =	sor.u32 s3, s0;
	s1 =	sshll.u32 s1, $0x11  }
0xba: {  	s0 =	sor.u32 s1, s0  }
0xbb: {  	s0 =	sadd.s32 $0x8F2B, s0  }
0xbc: {  	[sflag:s0] =	ssyncadd.remote.s32 $0x1  }
0xbd: {  	_ =	sfence.sel $0xFFFF  }
0xbe: {  	[dreg:$0x0] =	wrdreg $0xFFFFFFFF;
	(pc) =	sbr.abs _section_cstart, $3  }
0xbf: {  	[dreg:$0x1] =	wrdreg $0xFFFFFFFF  }
0xc0: {  	_ =	task.clear_ibuf [dreg:s6], $0x2FFFF;
	_ =	strace $0x9FFFFFFF  }
0xc1: {  	(tm) =	ssettm $0x7FFFFFFF  }
tec
execute0_lowered:
.L_overlay_start_1:
0x0: {  	(tag) =	ssettag $0x1  }
0x1: {  	s1 =	srdreg.scid;
	s0 =	stileid.u32  }
0x2: {  	s5 =	sand.u32 $0x1, s1;
	s31 =	sshll.u32 s0, $0x1  }
0x3: {  	s1 =	sor.u32 s5, s31  }
0x4: {  	s7 =	rddreg [dreg:$0x0];
	s2 =	simm.s32 $0x0;
	s3 =	smul.u32 $0x500, s1  }
0x5: {  	s4 =	simm.s32 $0x2;
	[smem:$0x7FF] =	sst s2  }
0x6: {  	s8 =	ssub.s32 $0x2, s5;
	s1 =	rddreg [dreg:$0x1];
	s6 =	sadd.s32 s3, s7  }
0x7: {  	_ =	strace $0x80000047;
	s9 =	sshrl.u32 s8, $0x1;
	s3 =	sadd.s32 $0x1000, s6  }
0x8: {  	[tilespmem:s2], [sflag:$0x2] =	stream.linear.gather [hbm4b:s3+s2], $0x2800, $0x38;
	[tilespmem:$0x5000] =	vst v63  }
0x9: {  	s8 =	ssub.s32 s8, s9;
	_ =	swait.ge [sflag:s4], $0x2800  }
0xa: {  	s9 =	smax.u32 s8, $0x1;
	[sflag:s4] =	ssyncset.done $0x0  }
0xb: {  	s5 =	sadd.s32 $0x15000, s6;
	s6 =	simm.s32 $0x2800;
	[sflag:s4] =	ssyncadd.s32 $0xFFFFD800  }
0xc: {  	[tilespmem:s6], [sflag:$0x2] =	stream.linear.gather [hbm4b:s5+s2], $0x2800, $0x38;
	[tilespmem:$0x5000] =	vst v63  }
0xd: {  	p0 =	sne.s32 s9, $0x1;
	_ =	swait.ge [sflag:s4], $0x2800  }
.Ltmp0:
0xe: {  	[sflag:s4] =	ssyncset.done $0x0;
	(pc) =	sbr.rel @!p0 .LBB2_2-.Ltmp0, $4  }
0xf: {  	s7 =	sadd.s32 $0x1F000, s7;
	s8 =	simm.s32 $0x1;
	[sflag:s4] =	ssyncadd.s32 $0xFFFFD800  }
0x10: {  	[hbm4b:s7+s6] =	stream.indirect.scatter [tilespmem:s6], [sflag:$0x1], $0x1, s2, s6, $0xb8;
	[tilespmem:$0x5000] =	vst v63  }
0x11: {  	_ =	swait.ge [sflag:s8], $0x2800  }
0x12: {  	s9 =	sadd.s32 $0xFFFFFFFF, s9;
	[sflag:s8] =	ssyncset.done $0x0  }
.LBB2_1:
0x13: {  	p0 =	sne.s32 s9, $0x1;
	s9 =	sadd.s32 $0xFFFFFFFF, s9;
	[sflag:s8] =	ssyncadd.s32 $0xFFFFD800  }
0x14: {  	[tilespmem:s2], [sflag:$0x2] =	stream.linear.gather [hbm4b:s3+s2], $0x2800, $0x38;
	[tilespmem:$0x5000] =	vst v63  }
0x15: {  	_ =	swait.ge [sflag:s4], $0x2800  }
0x16: {  	[sflag:s4] =	ssyncset.done $0x0  }
0x17: {  	[sflag:s4] =	ssyncadd.s32 $0xFFFFD800  }
0x18: {  	[tilespmem:s6], [sflag:$0x2] =	stream.linear.gather [hbm4b:s5+s2], $0x2800, $0x38;
	[tilespmem:$0x5000] =	vst v63  }
0x19: {  	_ =	swait.ge [sflag:s4], $0x2800  }
.Ltmp1:
0x1a: {  	[sflag:s4] =	ssyncset.done $0x0;
	(pc) =	sbr.rel @p0 .LBB2_1-.Ltmp1, $4  }
0x1b: {  	[sflag:s4] =	ssyncadd.s32 $0xFFFFD800  }
0x1c: {  	[hbm4b:s7+s6] =	stream.indirect.scatter [tilespmem:s6], [sflag:$0x1], $0x1, s2, s6, $0xb8;
	[tilespmem:$0x5000] =	vst v63  }
0x1d: {  	_ =	swait.ge [sflag:s8], $0x2800  }
0x1e: {  	[sflag:s8] =	ssyncset.done $0x0  }
.LBB2_2:
0x1f: {  	[sflag:s8] =	ssyncadd.s32 $0xFFFFD800  }
0x20: {  	_ =	sfence.sel $0x180000  }
0x21: {  	[bflag:$0x0] =	sbarrier.arrive $0xFFFF  }
0x22: {  	p0 =	sne.s32 s0, $0x0;
	_ =	strace $0x90000047  }
0x23: {  	s0 =	sadd.s32 @!p0 $0x100000, s1;
	[bflag:$0x2] =	sbarrier.arrive $0xFFFF  }
0x24: {  	[sflag:s0] =	ssyncadd.tile.s32 @!p0 $0x1;
	_ =	shalt  }
.Lfunc_end2:
_tile_overlayer_lowered:
.L_overlay_start_2:
0x25: {  	(tag) =	ssettag $0x2  }
0x26: {  	s0 =	rddreg [dreg:$0x0];
	s2 =	stileid.u32  }
0x27: {  	s1 =	rddreg [dreg:$0x1];
	p0 =	sne.s32 s2, $0x0  }
0x28: {  	s3 =	rddreg [dreg:$0x2];
	[bflag:$0x3] =	sbarrier.arrive $0xFFFF;
	s2 =	simm.s32 @!p0 $0x1C02  }
0x29: {  	[timem:s3], [sflag:s2] =	dma.local @!p0 [hbm:s0], s1  }
0x2a: {  	s0 =	simm.s32 @!p0 $0x2  }
0x2b: {  	_ =	swait.ge @!p0 [sflag:s0], s1  }
0x2c: {  	s1 =	ssub.s32 @!p0 $0x0, s1;
	[sflag:s0] =	ssyncset.done @!p0 $0x0  }
0x2d: {  	[sflag:s0] =	ssyncadd.s32 @!p0 s1  }
0x2e: {  	[bflag:$0x3] =	sbarrier.arrive $0xFFFF  }
0x2f: {  	_ =	shalt  }

// kernel: kernel.9.cloned.1.call-start
scs
__scs_entry_jumppad:
0x0: {  	(pc) =	sbr.rel $0x88, $3  }
0x1: {  	(tag) =	ssettag $0x0;
	lr =	simm.s32 $0x1  }
0x2: {  	[smem:$0x3F9B] =	sst lr;
	_ =	strace $0xD0000000  }
0x3: {  	_ = 	snop  }
0x4: {  	_ = 	snop  }
0x5: {  	_ = 	snop  }
0x6: {  	_ = 	snop  }
0x7: {  	_ = 	snop  }
__scs_overlays_trampoline_lowered:
0x8: {  	[smem:$0x3FAA] =	sst s0  }
0x9: {  	[smem:$0x3FAB] =	sst s1  }
0xa: {  	[smem:$0x3FAC] =	sst s2  }
0xb: {  	[smem:$0x3FAD] =	sst s3  }
0xc: {  	[smem:$0x3FAE] =	sst s4  }
0xd: {  	[smem:$0x3FAF] =	sst s5  }
0xe: {  	[smem:$0x3FB0] =	sst s6  }
0xf: {  	[smem:$0x3FB1] =	sst s7  }
0x10: {  	[smem:$0x3FB2] =	sst s8  }
0x11: {  	[smem:$0x3FB3] =	sst s9;
	s0 =	simm.s32 @!p0 $0x0  }
0x12: {  	s1 =	sld [smem:$0x3F99];
	s0 =	simm.s32 @p0 $0x1  }
0x13: {  	[smem:$0x3FB4] =	sst s0;
	s0 =	simm.s32 @!p1 $0x0  }
0x14: {  	s2 =	sld [smem:$0x3F98];
	s0 =	simm.s32 @p1 $0x1  }
0x15: {  	[smem:$0x3FB5] =	sst s0;
	s0 =	simm.s32 @!p2 $0x0  }
0x16: {  	s3 =	sld [smem:$0x3FDB];
	s0 =	simm.s32 @p2 $0x1  }
0x17: {  	s4 =	simm.s32 $0x1BF5;
	[smem:$0x3FB7] =	sst s0  }
0x18: {  	s0 =	sld [smem:$0x3F9A];
	_ =	swait.ge [sflag:s4], $0x0  }
0x19: {  	s7 =	sld [smem:$0x3F9B]  }
0x1a: {  	s8 =	sadd.s32 $0xFFFFE003, lr  }
0x1b: {  	s9 =	sadd.s32 $0xFFFFFEF7, lr;
	s5 =	simm.s32 $0xFFFFFFFF;
	p2 =	slt.u32 s8, $0xFFFFF086  }
0x1c: {  	p1 =	slt.u32 s9, $0xF7A;
	s5 =	simm.s32 @!p2 $0x0  }
0x1d: {  	s5 =	simm.s32 @p1 $0x1;
	p0 =	seq.s32 s7, s2  }
0x1e: {  	s7 =	smul.u32 @!p0 $0xF7A, s2;
	p2 =	seq.s32 @!p0 s5, $0x0  }
0x1f: {  	s9 =	smul.u32 $0xF7A, s1;
	s8 =	simm.s32 @!p0 $0x1BF5;
	p2 =	por !p2, p0  }
0x20: {  	[sflag:s8] =	ssyncset.s32 @!p0 $0xFFFFF086;
	s6 =	sadd.s32 @!p0 s3, s7;
	s7 =	simm.s32 @!p0 $0x108  }
0x21: {  	s3 =	sadd.s32 s3, s9;
	s6 =	sadd.s32 @!p0 $0x88, s6;
	s7 =	simm.s32 @p2 $0x1082  }
0x22: {  	[simem:s7], [sflag:s8] =	dma.local @!p0 [hbm:s6], $0xF7A  }
0x23: {  	s9 =	sor.u32 $0xD0000000, s2;
	s6 =	simm.s32 $0x108;
	_ =	swait.ge @!p0 [sflag:s8], $0x0  }
0x24: {  	s3 =	sadd.s32 $0x88, s3;
	s6 =	simm.s32 @!p1 $0x1082;
	[sflag:s4] =	ssyncset.s32 $0xFFFFF086  }
0x25: {  	[simem:s6], [sflag:s4] =	dma.local [hbm:s3], $0xF7A  }
0x26: {  	[smem:$0x3F9B] =	sst s1;
	(tag) =	ssettag s2;
	_ =	strace s9  }
0x27: {  	s1 =	sld [smem:$0x3FAB]  }
0x28: {  	s2 =	sld [smem:$0x3FAC]  }
0x29: {  	s4 =	sld [smem:$0x3FAE]  }
0x2a: {  	p0 =	seq.s32 s5, $0x0;
	s5 =	sld [smem:$0x3FAF]  }
0x2b: {  	s6 =	sld [smem:$0x3FB0]  }
0x2c: {  	s7 =	sld [smem:$0x3FB1]  }
0x2d: {  	s3 =	simm.s32 $0x108;
	s8 =	sld [smem:$0x3FB2]  }
0x2e: {  	s3 =	simm.s32 @!p0 $0x1082;
	s9 =	sld [smem:$0x3FB3]  }
0x2f: {  	lr =	sadd.s32 s0, s3;
	s0 =	sld [smem:$0x3FAA]  }
0x30: {  	s3 =	sld [smem:$0x3FAD]  }
0x31: {  	[smem:$0x3FB6] =	sst s10  }
0x32: {  	s10 =	sld [smem:$0x3FB4];
	_ =	sdelay $0x3  }
0x33: {  	p0 =	seq.s32 s10, $0x1;
	s10 =	sld [smem:$0x3FB6];
	_ =	sdelay $0x3  }
0x34: {  	[smem:$0x3FB6] =	sst s10  }
0x35: {  	s10 =	sld [smem:$0x3FB5];
	_ =	sdelay $0x3  }
0x36: {  	p1 =	seq.s32 s10, $0x1;
	s10 =	sld [smem:$0x3FB6];
	_ =	sdelay $0x3  }
0x37: {  	[smem:$0x3FB6] =	sst s10  }
0x38: {  	s10 =	sld [smem:$0x3FB7]  }
0x39: {  	_ = 	snop;
	(pc) =	sbr.ind lr, $3  }
0x3a: {  	_ = 	snop  }
0x3b: {  	_ = 	snop  }
0x3c: {  	p2 =	seq.s32 s10, $0x1;
	s10 =	sld [smem:$0x3FB6]  }
0x3d: {  	_ =	shalt  }
0x3e: {  	_ =	shalt  }
0x3f: {  	_ =	shalt  }
0x40: {  	_ =	shalt  }
0x41: {  	_ =	shalt  }
0x42: {  	_ =	shalt  }
0x43: {  	_ =	shalt  }
0x44: {  	_ =	shalt  }
0x45: {  	_ =	shalt  }
0x46: {  	_ =	shalt  }
0x47: {  	_ =	shalt  }
0x48: {  	_ =	shalt  }
0x49: {  	_ =	shalt  }
0x4a: {  	_ =	shalt  }
0x4b: {  	_ =	shalt  }
0x4c: {  	_ =	shalt  }
0x4d: {  	_ =	shalt  }
0x4e: {  	_ =	shalt  }
0x4f: {  	_ =	shalt  }
0x50: {  	_ =	shalt  }
0x51: {  	_ =	shalt  }
0x52: {  	_ =	shalt  }
0x53: {  	_ =	shalt  }
0x54: {  	_ =	shalt  }
0x55: {  	_ =	shalt  }
0x56: {  	_ =	shalt  }
0x57: {  	_ =	shalt  }
0x58: {  	_ =	shalt  }
0x59: {  	_ =	shalt  }
0x5a: {  	_ =	shalt  }
0x5b: {  	_ =	shalt  }
0x5c: {  	_ =	shalt  }
0x5d: {  	_ =	shalt  }
0x5e: {  	_ =	shalt  }
0x5f: {  	_ =	shalt  }
0x60: {  	_ =	shalt  }
0x61: {  	_ =	shalt  }
0x62: {  	_ =	shalt  }
0x63: {  	_ =	shalt  }
0x64: {  	_ =	shalt  }
0x65: {  	_ =	shalt  }
0x66: {  	_ =	shalt  }
0x67: {  	_ =	shalt  }
0x68: {  	_ =	shalt  }
0x69: {  	_ =	shalt  }
0x6a: {  	_ =	shalt  }
0x6b: {  	_ =	shalt  }
0x6c: {  	_ =	shalt  }
0x6d: {  	_ =	shalt  }
0x6e: {  	_ =	shalt  }
0x6f: {  	_ =	shalt  }
0x70: {  	_ =	shalt  }
0x71: {  	_ =	shalt  }
0x72: {  	_ =	shalt  }
0x73: {  	_ =	shalt  }
0x74: {  	_ =	shalt  }
0x75: {  	_ =	shalt  }
0x76: {  	_ =	shalt  }
0x77: {  	_ =	shalt  }
0x78: {  	_ =	shalt  }
0x79: {  	_ =	shalt  }
0x7a: {  	_ =	shalt  }
0x7b: {  	_ =	shalt  }
0x7c: {  	_ =	shalt  }
0x7d: {  	_ =	shalt  }
0x7e: {  	_ =	shalt  }
0x7f: {  	_ =	shalt  }
0x80: {  	_ =	shalt  }
0x81: {  	_ =	shalt  }
0x82: {  	_ =	shalt  }
0x83: {  	_ =	shalt  }
0x84: {  	_ =	shalt  }
0x85: {  	_ =	shalt  }
0x86: {  	_ =	shalt  }
0x87: {  	_ =	shalt  }
.Lfunc_end0:
.L_simem_size_0:
called_computation.1_lowered:
.L_overlay_start_0:
0x88: {  	s2 =	sld [smem:$0x3FD9]  }
0x89: {  	s3 =	sld [smem:$0x3FFE];
	_ =	sdelay $0x1  }
0x8a: {  	s1 =	srdreg.scid  }
0x8b: {  	s0 =	sand.u32 $0x1, s1  }
0x8c: {  	s14 =	sshll.u32 s0, $0xA;
	s2 =	sadd.s32 s3, s2  }
0x8d: {  	s2 =	sadd.s32 s2, s14  }
0x8e: {  	[smem:$0x3FC2] =	sst s2  }
0x8f: {  	_ = 	snop  }
0x90: {  	s2 =	sld [smem:$0x3FD0];
	_ =	sdelay $0x2  }
0x91: {  	s15 =	simm.s32 $0xA;
	s4 =	simm.s32 $0x10  }
0x92: {  	[smem:s4], [sflag:s15] =	dma.local [hbm:s2], $0x1  }
0x93: {  	_ =	swait.eq [sflag:s15], $0x1  }
0x94: {  	[sflag:s15] =	ssyncset.done $0x0  }
0x95: {  	[sflag:s15] =	ssyncadd.s32 $0xFFFFFFFF  }
0x96: {  	s16 =	sld [smem:$0x11];
	(tm) =	ssettm $0x1  }
0x97: {  	s17 =	sld [smem:$0x3FFB];
	_ =	sdelay $0x3  }
0x98: {  	_ =	strace s17  }
0x99: {  	s3 =	sld [smem:$0x3FFC];
	_ =	sdelay $0x3  }
0x9a: {  	_ =	strace s3  }
0x9b: {  	s3 =	sld [smem:$0x3FFD];
	_ =	sdelay $0x3  }
0x9c: {  	_ =	strace s3  }
0x9d: {  	_ =	strace $0x8FFFFFFF  }
0x9e: {  	s18 =	sld [smem:$0x3FDB];
	_ =	sdelay $0x1  }
0x9f: {  	s19 =	simm.s32 $_scs_section_size  }
0xa0: {  	s5 =	simm.s32 $_size__tile_overlayer_lowered;
	s6 =	simm.s32 $_tile_overlayer_lowered  }
0xa1: {  	s22 =	simm.s32 $0x1BFF;
	s21 =	sshll.u32 s6, $0x1;
	s3 =	sadd.s32 s19, s18  }
0xa2: {  	s7 =	simm.s32 $0x0;
	s20 =	sshll.u32 s5, $0x1;
	s5 =	sadd.s32 s21, s3  }
0xa3: {  	[timem:s7], [sflag:s22] =	dma.local [hbm:s5], s20  }
0xa4: {  	_ =	swait.ge [sflag:s22], s20  }
0xa5: {  	s4 =	ssub.s32 $0x0, s20;
	[sflag:s22] =	ssyncset.done $0x0  }
0xa6: {  	[sflag:s22] =	ssyncadd.s32 s4;
	_ =	sdelay $0x1  }
0xa7: {  	s23 =	simm.s32 $0x1B8B  }
0xa8: {  	_ =	swait.ge [sflag:s23], $0x1  }
0xa9: {  	[sflag:s23] =	ssyncset.done $0x0  }
0xaa: {  	s25 =	simm.s32 $0x1B8E;
	s24 =	sld [smem:$0x3FFE];
	[sflag:s23] =	ssyncadd.s32 $0xFFFFFFFF  }
0xab: {  	s26 =	simm.s32 $execute0_lowered;
	[smem:$0x3FD2] =	sst s25  }
0xac: {  	s5 =	sshll.u32 s26, $0x1;
	_ =	strace $0x80000049;
	[dreg:$0x1] =	wrdreg $0xFFFFFFFF  }
0xad: {  	s28 =	simm.s32 $_size_execute0_lowered;
	s3 =	sadd.s32 s3, s5;
	[dreg:$0x0] =	wrdreg $0x0  }
0xae: {  	s5 =	sshll.u32 s28, $0x1;
	[dreg:$0x2] =	wrdreg s3  }
0xaf: {  	[dreg:$0x3] =	wrdreg s5  }
0xb0: {  	[dreg:$0x4] =	wrdreg $0xC0  }
0xb1: {  	_ =	task [dreg:s7], $0x5FFFF  }
0xb2: {  	[dreg:$0x1] =	wrdreg $0xFFFFFFFF  }
0xb3: {  	[dreg:$0x0] =	wrdreg $0x60  }
0xb4: {  	[dreg:$0x2] =	wrdreg s16  }
0xb5: {  	[dreg:$0x3] =	wrdreg s24  }
0xb6: {  	[dreg:$0x4] =	wrdreg $0x9  }
0xb7: {  	_ =	task.clear_ibuf [dreg:s7], $0x5FFFF;
	_ =	strace $0x90000049  }
0xb8: {  	s29 =	simm.s32 $0x9;
	_ =	strace $0x8000004B  }
0xb9: {  	_ =	swait.ge [sflag:s29], $0x1  }
0xba: {  	[sflag:s29] =	ssyncadd.s32 $0xFFFFFFFF  }
0xbb: {  	_ =	strace $0x9000004B  }
0xbc: {  	_ =	sfence  }
0xbd: {  	s30 =	sld [smem:$0x0];
	_ =	sdelay $0x2  }
0xbe: {  	s31 =	sshll.u32 s1, $0xD;
	s1 =	sshrl.u32 s1, $0x2  }
0xbf: {  	s3 =	sand.u32 $0x4000, s31;
	s1 =	sadd.s32 s1, s30  }
0xc0: {  	s0 =	sor.u32 s3, s0;
	s1 =	sshll.u32 s1, $0x11  }
0xc1: {  	s0 =	sor.u32 s1, s0  }
0xc2: {  	s0 =	sadd.s32 $0x8F2B, s0  }
0xc3: {  	[sflag:s0] =	ssyncadd.remote.s32 $0x1  }
0xc4: {  	_ =	sfence.sel $0xFFFF  }
0xc5: {  	[dreg:$0x0] =	wrdreg $0xFFFFFFFF;
	(pc) =	sbr.abs _section_cstart, $3  }
0xc6: {  	[dreg:$0x1] =	wrdreg $0xFFFFFFFF  }
0xc7: {  	_ =	task.clear_ibuf [dreg:s7], $0x2FFFF;
	_ =	strace $0x9FFFFFFF  }
0xc8: {  	(tm) =	ssettm $0x7FFFFFFF  }
0xc9: {  	_ =	shalt  }
tec
execute0_lowered:
.L_overlay_start_1:
0x0: {  	(tag) =	ssettag $0x1  }
0x1: {  	s1 =	srdreg.scid;
	s0 =	stileid.u32  }
0x2: {  	s3 =	rddreg [dreg:$0x0];
	s5 =	sand.u32 $0x1, s1;
	s31 =	sshll.u32 s0, $0x1  }
0x3: {  	s7 =	rddreg [dreg:$0x1];
	s2 =	simm.s32 $0x0;
	s4 =	sor.u32 s5, s31  }
0x4: {  	[smem:$0x7FF] =	sst s2;
	s6 =	smul.u32 $0x500, s4  }
0x5: {  	s1 =	rddreg [dreg:$0x2];
	_ =	strace $0x8000004A;
	s8 =	ssub.s32 $0x2, s5  }
0x6: {  	s4 =	simm.s32 $0x2;
	s9 =	sshrl.u32 s8, $0x1;
	s3 =	sadd.s32 s3, s6  }
0x7: {  	[tilespmem:s2], [sflag:$0x2] =	stream.linear.gather [hbm4b:s3+s2], $0x2800, $0x38;
	[tilespmem:$0x5000] =	vst v63  }
0x8: {  	s8 =	ssub.s32 s8, s9;
	_ =	swait.ge [sflag:s4], $0x2800  }
0x9: {  	s6 =	sadd.s32 s6, s7;
	s9 =	smax.u32 s8, $0x1;
	[sflag:s4] =	ssyncset.done $0x0  }
0xa: {  	s5 =	sadd.s32 $0xB000, s6;
	s6 =	simm.s32 $0x2800;
	[sflag:s4] =	ssyncadd.s32 $0xFFFFD800  }
0xb: {  	[tilespmem:s6], [sflag:$0x2] =	stream.linear.gather [hbm4b:s5+s2], $0x2800, $0x38;
	[tilespmem:$0x5000] =	vst v63  }
0xc: {  	p0 =	sne.s32 s9, $0x1;
	_ =	swait.ge [sflag:s4], $0x2800  }
.Ltmp0:
0xd: {  	[sflag:s4] =	ssyncset.done $0x0;
	(pc) =	sbr.rel @!p0 .LBB2_2-.Ltmp0, $4  }
0xe: {  	s7 =	sadd.s32 $0x1F000, s7;
	s8 =	simm.s32 $0x1;
	[sflag:s4] =	ssyncadd.s32 $0xFFFFD800  }
0xf: {  	[hbm4b:s7+s6] =	stream.indirect.scatter [tilespmem:s6], [sflag:$0x1], $0x1, s2, s6, $0xb8;
	[tilespmem:$0x5000] =	vst v63  }
0x10: {  	_ =	swait.ge [sflag:s8], $0x2800  }
0x11: {  	s9 =	sadd.s32 $0xFFFFFFFF, s9;
	[sflag:s8] =	ssyncset.done $0x0  }
.LBB2_1:
0x12: {  	p0 =	sne.s32 s9, $0x1;
	s9 =	sadd.s32 $0xFFFFFFFF, s9;
	[sflag:s8] =	ssyncadd.s32 $0xFFFFD800  }
0x13: {  	[tilespmem:s2], [sflag:$0x2] =	stream.linear.gather [hbm4b:s3+s2], $0x2800, $0x38;
	[tilespmem:$0x5000] =	vst v63  }
0x14: {  	_ =	swait.ge [sflag:s4], $0x2800  }
0x15: {  	[sflag:s4] =	ssyncset.done $0x0  }
0x16: {  	[sflag:s4] =	ssyncadd.s32 $0xFFFFD800  }
0x17: {  	[tilespmem:s6], [sflag:$0x2] =	stream.linear.gather [hbm4b:s5+s2], $0x2800, $0x38;
	[tilespmem:$0x5000] =	vst v63  }
0x18: {  	_ =	swait.ge [sflag:s4], $0x2800  }
.Ltmp1:
0x19: {  	[sflag:s4] =	ssyncset.done $0x0;
	(pc) =	sbr.rel @p0 .LBB2_1-.Ltmp1, $4  }
0x1a: {  	[sflag:s4] =	ssyncadd.s32 $0xFFFFD800  }
0x1b: {  	[hbm4b:s7+s6] =	stream.indirect.scatter [tilespmem:s6], [sflag:$0x1], $0x1, s2, s6, $0xb8;
	[tilespmem:$0x5000] =	vst v63  }
0x1c: {  	_ =	swait.ge [sflag:s8], $0x2800  }
0x1d: {  	[sflag:s8] =	ssyncset.done $0x0  }
.LBB2_2:
0x1e: {  	[sflag:s8] =	ssyncadd.s32 $0xFFFFD800  }
0x1f: {  	_ =	sfence.sel $0x180000  }
0x20: {  	[bflag:$0x0] =	sbarrier.arrive $0xFFFF  }
0x21: {  	p0 =	sne.s32 s0, $0x0;
	_ =	strace $0x9000004A  }
0x22: {  	s0 =	sadd.s32 @!p0 $0x100000, s1;
	[bflag:$0x2] =	sbarrier.arrive $0xFFFF  }
0x23: {  	[sflag:s0] =	ssyncadd.tile.s32 @!p0 $0x1;
	_ =	shalt  }
.Lfunc_end2:
_tile_overlayer_lowered:
.L_overlay_start_2:
0x24: {  	(tag) =	ssettag $0x2  }
0x25: {  	s0 =	rddreg [dreg:$0x0];
	s2 =	stileid.u32  }
0x26: {  	s1 =	rddreg [dreg:$0x1];
	p0 =	sne.s32 s2, $0x0  }
0x27: {  	s3 =	rddreg [dreg:$0x2];
	[bflag:$0x3] =	sbarrier.arrive $0xFFFF;
	s2 =	simm.s32 @!p0 $0x1C02  }
0x28: {  	[timem:s3], [sflag:s2] =	dma.local @!p0 [hbm:s0], s1  }
0x29: {  	s0 =	simm.s32 @!p0 $0x2  }
0x2a: {  	_ =	swait.ge @!p0 [sflag:s0], s1  }
0x2b: {  	s1 =	ssub.s32 @!p0 $0x0, s1;
	[sflag:s0] =	ssyncset.done @!p0 $0x0  }
0x2c: {  	[sflag:s0] =	ssyncadd.s32 @!p0 s1  }
0x2d: {  	[bflag:$0x3] =	sbarrier.arrive $0xFFFF  }
0x2e: {  	_ =	shalt  }

</sc_bundles>
